<compile_context>
chip_gen: v7x
topology: tpu7x:2x2x1
jax: 0.10.2.dev20260603
libtpu: 0.0.44.dev20260713+nightly
codegen_flags: <defaults>
</compile_context>

<pallas_src>
import functools

import jax
import jax.numpy as jnp
from jax import lax
from jax.experimental import pallas as pl
from jax.experimental.pallas import tpu as pltpu
from jax.experimental.pallas import tpu_sc as plsc

N = 10000
E = 320000
D = 128
G = 64

NC = 2
NS = 16
NW = NC * NS
CHUNK = 128
CPW = 79
EPW = CPW * CHUNK
E_PAD = NW * EPW
ACC_ROWS = 10240
DEAD_ROW = N + 8
ZROWS = 128


def _sc_aggregate_build():
    mesh = plsc.VectorSubcoreMesh(core_axis_name="c", subcore_axis_name="s")

    @functools.partial(
        pl.kernel,
        out_type=jax.ShapeDtypeStruct((NC, ACC_ROWS, D), jnp.float32),
        mesh=mesh,
        scratch_types=[
            pltpu.VMEM((1, CHUNK), jnp.int32),
            pltpu.VMEM((1, CHUNK), jnp.int32),
            pltpu.VMEM((1, CHUNK, D), jnp.float32),
            pltpu.VMEM((ZROWS, D), jnp.float32),
            pltpu.VMEM_SHARED((ACC_ROWS, D), jnp.float32),
            pltpu.SemaphoreType.DMA,
        ],
    )
    def sc_aggregate(src_hbm, dst_hbm, h_hbm, out_hbm,
                     srcb, dstb, rows, zbuf, acc, sem):
        cid = lax.axis_index("c")
        sid = lax.axis_index("s")
        wid = cid * NS + sid

        zero16 = jnp.zeros((16,), jnp.float32)

        @pl.loop(0, ZROWS)
        def _(r):
            for j in range(D // 16):
                zbuf[r, pl.ds(j * 16, 16)] = zero16

        rows_per_tile = ACC_ROWS // NS

        @pl.loop(0, rows_per_tile // ZROWS)
        def _(z):
            pltpu.sync_copy(
                zbuf, acc.at[pl.ds(sid * rows_per_tile + z * ZROWS, ZROWS)])

        plsc.subcore_barrier()

        ebase = wid * EPW

        @pl.loop(0, CPW)
        def _(c):
            base = ebase + c * CHUNK
            pltpu.sync_copy(src_hbm.at[pl.ds(base, CHUNK)], srcb.at[0])
            pltpu.sync_copy(dst_hbm.at[pl.ds(base, CHUNK)], dstb.at[0])
            pltpu.async_copy(h_hbm.at[srcb.at[0]], rows.at[0], sem).wait()
            pltpu.sync_copy(rows.at[0], acc.at[dstb.at[0]], add=True)

        plsc.subcore_barrier()

        pltpu.sync_copy(
            acc.at[pl.ds(sid * rows_per_tile, rows_per_tile)],
            out_hbm.at[cid, pl.ds(sid * rows_per_tile, rows_per_tile)])

    return sc_aggregate


_sc_aggregate = _sc_aggregate_build()


def _layer_body(relu, p_ref, h_ref, wrel_ref, b_ref, wroot_ref, o_ref):
    aggr = p_ref[0] + p_ref[1]
    out = jnp.dot(aggr, wrel_ref[...], preferred_element_type=jnp.float32)
    out = out + jnp.dot(h_ref[...], wroot_ref[...],
                        preferred_element_type=jnp.float32)
    out = out + b_ref[...]
    if relu:
        out = jnp.maximum(out, 0.0)
    o_ref[...] = out


def _tc_layer(P, h, W_rel, b, W_root, relu):
    blk = 1000
    nblk = N // blk
    return pl.pallas_call(
        functools.partial(_layer_body, relu),
        grid=(nblk,),
        in_specs=[
            pl.BlockSpec((NC, blk, D), lambda i: (0, i, 0)),
            pl.BlockSpec((blk, D), lambda i: (i, 0)),
            pl.BlockSpec((D, D), lambda i: (0, 0)),
            pl.BlockSpec((1, D), lambda i: (0, 0)),
            pl.BlockSpec((D, D), lambda i: (0, 0)),
        ],
        out_specs=pl.BlockSpec((blk, D), lambda i: (i, 0)),
        out_shape=jax.ShapeDtypeStruct((N, D), jnp.float32),
    )(P, h, W_rel, b.reshape(1, D), W_root)


def _pool_body(nblk, batch_ref, h_ref, wl_ref, bl_ref, o_ref, acc_ref, cnt_ref):
    i = pl.program_id(0)

    @pl.when(i == 0)
    def _():
        acc_ref[...] = jnp.zeros_like(acc_ref)
        cnt_ref[...] = jnp.zeros_like(cnt_ref)

    ids = batch_ref[0, 0, :]
    blk = ids.shape[0]
    onehot = (ids[:, None] ==
              lax.broadcasted_iota(jnp.int32, (blk, G), 1)).astype(jnp.float32)
    acc_ref[...] += lax.dot_general(
        onehot, h_ref[...], (((0,), (0,)), ((), ())),
        preferred_element_type=jnp.float32)
    cnt_ref[...] += jnp.sum(onehot, axis=0)[:, None]

    @pl.when(i == nblk - 1)
    def _():
        pooled = acc_ref[...] / jnp.maximum(cnt_ref[...], 1.0)
        o_ref[...] = jnp.dot(pooled, wl_ref[...],
                             preferred_element_type=jnp.float32) + bl_ref[...]


def _tc_pool(h, batch, Wl, bl):
    blk = 1000
    nblk = N // blk
    C = Wl.shape[1]
    return pl.pallas_call(
        functools.partial(_pool_body, nblk),
        grid=(nblk,),
        in_specs=[
            pl.BlockSpec((1, 1, blk), lambda i: (i, 0, 0)),
            pl.BlockSpec((blk, D), lambda i: (i, 0)),
            pl.BlockSpec((D, C), lambda i: (0, 0)),
            pl.BlockSpec((1, C), lambda i: (0, 0)),
        ],
        out_specs=pl.BlockSpec((G, C), lambda i: (0, 0)),
        out_shape=jax.ShapeDtypeStruct((G, C), jnp.float32),
        scratch_shapes=[
            pltpu.VMEM((G, D), jnp.float32),
            pltpu.VMEM((G, D), jnp.float32),
        ],
    )(batch.reshape(N // blk, 1, blk), h, Wl, bl.reshape(1, C))


def kernel(x, edge_index, batch, W1_rel, b1, W1_root, W2_rel, b2, W2_root,
           W3_rel, b3, W3_root, Wl, bl):
    pad = E_PAD - E
    src = jnp.concatenate([edge_index[0], jnp.zeros((pad,), jnp.int32)])
    dst = jnp.concatenate(
        [edge_index[1], jnp.full((pad,), DEAD_ROW, jnp.int32)])

    h = x
    for W_rel, b, W_root, relu in (
            (W1_rel, b1, W1_root, True),
            (W2_rel, b2, W2_root, True),
            (W3_rel, b3, W3_root, False)):
        P = _sc_aggregate(src, dst, h)
        h = _tc_layer(P, h, W_rel, b, W_root, relu)

    return _tc_pool(h, batch, Wl, bl)

# --- scband reference (transcript-rebuilt; emitter-appended) ---
"""Pipeline reference for scband-gnn-46471546143165 (READ-ONLY COPY).

The authoritative reference and input builder live on the scoring server;
editing this copy changes nothing except your own understanding.
"""

import jax, jax.numpy as jnp
import numpy as np

N = 10000
E = 320000
D = 128
H = 128
C = 10
G = 64


def setup_inputs(seed: int = 0) -> dict:
    key = jax.random.key(seed)
    ks = jax.random.split(key, 16)
    x = jax.random.normal(ks[0], (N, D), dtype=jnp.float32)
    edge_index = jax.random.randint(ks[1], (2, E), 0, N, dtype=jnp.int32)
    batch = jnp.sort(jax.random.randint(ks[2], (N,), 0, G, dtype=jnp.int32))
    s = 0.05
    W1_rel = jax.random.normal(ks[3], (D, H), dtype=jnp.float32) * s
    b1 = jax.random.normal(ks[4], (H,), dtype=jnp.float32) * s
    W1_root = jax.random.normal(ks[5], (D, H), dtype=jnp.float32) * s
    W2_rel = jax.random.normal(ks[6], (H, H), dtype=jnp.float32) * s
    b2 = jax.random.normal(ks[7], (H,), dtype=jnp.float32) * s
    W2_root = jax.random.normal(ks[8], (H, H), dtype=jnp.float32) * s
    W3_rel = jax.random.normal(ks[9], (H, H), dtype=jnp.float32) * s
    b3 = jax.random.normal(ks[10], (H,), dtype=jnp.float32) * s
    W3_root = jax.random.normal(ks[11], (H, H), dtype=jnp.float32) * s
    Wl = jax.random.normal(ks[12], (H, C), dtype=jnp.float32) * s
    bl = jax.random.normal(ks[13], (C,), dtype=jnp.float32) * s
    return {"x": x, "edge_index": edge_index, "batch": batch,
            "W1_rel": W1_rel, "b1": b1, "W1_root": W1_root,
            "W2_rel": W2_rel, "b2": b2, "W2_root": W2_root,
            "W3_rel": W3_rel, "b3": b3, "W3_root": W3_root,
            "Wl": Wl, "bl": bl}


def _graph_conv(x, src, dst, W_rel, b, W_root):
    # PyG GraphConv (aggr='add'): out = lin_rel(sum_{j in N(i)} x_j) + lin_root(x)
    msgs = jnp.take(x, src, axis=0)
    aggr = jax.ops.segment_sum(msgs, dst, num_segments=x.shape[0])
    return aggr @ W_rel + b + x @ W_root


def reference(x, edge_index, batch, W1_rel, b1, W1_root, W2_rel, b2, W2_root, W3_rel, b3, W3_root, Wl, bl):
    src = edge_index[0]
    dst = edge_index[1]
    h = jax.nn.relu(_graph_conv(x, src, dst, W1_rel, b1, W1_root))
    h = jax.nn.relu(_graph_conv(h, src, dst, W2_rel, b2, W2_root))
    h = _graph_conv(h, src, dst, W3_rel, b3, W3_root)
    # global_mean_pool over graph ids
    sums = jax.ops.segment_sum(h, batch, num_segments=G)
    cnts = jax.ops.segment_sum(jnp.ones((h.shape[0], 1), h.dtype), batch, num_segments=G)
    pooled = sums / jnp.maximum(cnts, 1.0)
    # dropout in eval mode -> identity
    return pooled @ Wl + bl

if __name__ == "__main__":
    import jax
    _d = setup_inputs()
    print(jax.jit(kernel)(*tuple(_d.values())))

</pallas_src>

<mosaic_0001>
#map = affine_map<(d0, d1) -> (0)>
#map1 = affine_map<(d0, d1) -> (0, 0)>
#map2 = affine_map<(d0, d1) -> (0, 0, 0)>
module attributes {stable_mosaic.version = 14 : i64} {
  func.func @sc_aggregate(%arg0: i32, %arg1: i32, %arg2: memref<323584xi32, #tpu.memory_space<hbm>>, %arg3: memref<323584xi32, #tpu.memory_space<hbm>>, %arg4: memref<10000x128xf32, #tpu.memory_space<hbm>>, %arg5: memref<2x10240x128xf32, #tpu.memory_space<hbm>>, %arg6: memref<1x128xi32, #tpu.memory_space<vmem>>, %arg7: memref<1x128xi32, #tpu.memory_space<vmem>>, %arg8: memref<1x128x128xf32, #tpu.memory_space<vmem>>, %arg9: memref<128x128xf32, #tpu.memory_space<vmem>>, %arg10: memref<10240x128xf32, #tpu.memory_space<vmem_shared>>, %arg11: memref<!tpu.dma_semaphore, #tpu.memory_space<semaphore_mem>>) attributes {dimension_semantics = [#tpu.dimension_semantics<core_parallel>, #tpu.dimension_semantics<subcore_parallel>], iteration_bounds = array<i64: 2, 16>, scalar_prefetch = 0 : i64, scratch_operands = 6 : i64, tpu.core_type = #tpu.core_type<sc_vector_subcore>, window_params = [{transform_indices = #map}, {transform_indices = #map}, {transform_indices = #map1}, {transform_indices = #map2}]} {
    %mul3A = arith.constant 16 : i32
    %mul3A_0 = arith.muli %arg0, %mul3A : i32
    %add3A = arith.addi %mul3A_0, %arg1 : i32
    %broadcast_in_dim3A = arith.constant 0.000000e+00 : f32
    %broadcast_in_dim3A_1 = vector.broadcast %broadcast_in_dim3A : f32 to vector<16xf32>
    %scan3A = arith.constant 0 : i32
    %scan3A_2 = arith.constant 128 : i32
    %scan3A_3 = arith.addi %scan3A, %scan3A_2 : i32
    %scan3A_4 = arith.constant 1 : i32
    scf.for %scan3A_23 = %scan3A to %scan3A_3 step %scan3A_4  : i32 {
      %mul3A_24 = arith.constant 1 : i32
      %mul3A_25 = arith.muli %scan3A_23, %mul3A_24 : i32
      %add3A_26 = arith.constant 0 : i32
      %add3A_27 = arith.addi %add3A_26, %mul3A_25 : i32
      %swap3A = arith.index_cast %add3A_27 : i32 to index
      %swap3A_28 = arith.constant 0 : index
      %swap3A_29 = tpu.vector_load %arg9[%swap3A, %swap3A_28] {strides = array<i32>} : memref<128x128xf32, #tpu.memory_space<vmem>>, vector<1x16xf32>,
      %swap3A_30 = vector.shape_cast %swap3A_29 : vector<1x16xf32> to vector<16xf32>
      %swap3A_31 = vector.shape_cast %broadcast_in_dim3A_1 : vector<16xf32> to vector<1x16xf32>
      tpu.vector_store %arg9[%swap3A, %swap3A_28], %swap3A_31 {strides = array<i32>} : memref<128x128xf32, #tpu.memory_space<vmem>>, vector<1x16xf32>,
      %swap3A_32 = arith.index_cast %add3A_27 : i32 to index
      %swap3A_33 = arith.constant 16 : index
      %swap3A_34 = tpu.vector_load %arg9[%swap3A_32, %swap3A_33] {strides = array<i32>} : memref<128x128xf32, #tpu.memory_space<vmem>>, vector<1x16xf32>,
      %swap3A_35 = vector.shape_cast %swap3A_34 : vector<1x16xf32> to vector<16xf32>
      %swap3A_36 = vector.shape_cast %broadcast_in_dim3A_1 : vector<16xf32> to vector<1x16xf32>
      tpu.vector_store %arg9[%swap3A_32, %swap3A_33], %swap3A_36 {strides = array<i32>} : memref<128x128xf32, #tpu.memory_space<vmem>>, vector<1x16xf32>,
      %swap3A_37 = arith.index_cast %add3A_27 : i32 to index
      %swap3A_38 = arith.constant 32 : index
      %swap3A_39 = tpu.vector_load %arg9[%swap3A_37, %swap3A_38] {strides = array<i32>} : memref<128x128xf32, #tpu.memory_space<vmem>>, vector<1x16xf32>,
      %swap3A_40 = vector.shape_cast %swap3A_39 : vector<1x16xf32> to vector<16xf32>
      %swap3A_41 = vector.shape_cast %broadcast_in_dim3A_1 : vector<16xf32> to vector<1x16xf32>
      tpu.vector_store %arg9[%swap3A_37, %swap3A_38], %swap3A_41 {strides = array<i32>} : memref<128x128xf32, #tpu.memory_space<vmem>>, vector<1x16xf32>,
      %swap3A_42 = arith.index_cast %add3A_27 : i32 to index
      %swap3A_43 = arith.constant 48 : index
      %swap3A_44 = tpu.vector_load %arg9[%swap3A_42, %swap3A_43] {strides = array<i32>} : memref<128x128xf32, #tpu.memory_space<vmem>>, vector<1x16xf32>,
      %swap3A_45 = vector.shape_cast %swap3A_44 : vector<1x16xf32> to vector<16xf32>
      %swap3A_46 = vector.shape_cast %broadcast_in_dim3A_1 : vector<16xf32> to vector<1x16xf32>
      tpu.vector_store %arg9[%swap3A_42, %swap3A_43], %swap3A_46 {strides = array<i32>} : memref<128x128xf32, #tpu.memory_space<vmem>>, vector<1x16xf32>,
      %swap3A_47 = arith.index_cast %add3A_27 : i32 to index
      %swap3A_48 = arith.constant 64 : index
      %swap3A_49 = tpu.vector_load %arg9[%swap3A_47, %swap3A_48] {strides = array<i32>} : memref<128x128xf32, #tpu.memory_space<vmem>>, vector<1x16xf32>,
      %swap3A_50 = vector.shape_cast %swap3A_49 : vector<1x16xf32> to vector<16xf32>
      %swap3A_51 = vector.shape_cast %broadcast_in_dim3A_1 : vector<16xf32> to vector<1x16xf32>
      tpu.vector_store %arg9[%swap3A_47, %swap3A_48], %swap3A_51 {strides = array<i32>} : memref<128x128xf32, #tpu.memory_space<vmem>>, vector<1x16xf32>,
      %swap3A_52 = arith.index_cast %add3A_27 : i32 to index
      %swap3A_53 = arith.constant 80 : index
      %swap3A_54 = tpu.vector_load %arg9[%swap3A_52, %swap3A_53] {strides = array<i32>} : memref<128x128xf32, #tpu.memory_space<vmem>>, vector<1x16xf32>,
      %swap3A_55 = vector.shape_cast %swap3A_54 : vector<1x16xf32> to vector<16xf32>
      %swap3A_56 = vector.shape_cast %broadcast_in_dim3A_1 : vector<16xf32> to vector<1x16xf32>
      tpu.vector_store %arg9[%swap3A_52, %swap3A_53], %swap3A_56 {strides = array<i32>} : memref<128x128xf32, #tpu.memory_space<vmem>>, vector<1x16xf32>,
      %swap3A_57 = arith.index_cast %add3A_27 : i32 to index
      %swap3A_58 = arith.constant 96 : index
      %swap3A_59 = tpu.vector_load %arg9[%swap3A_57, %swap3A_58] {strides = array<i32>} : memref<128x128xf32, #tpu.memory_space<vmem>>, vector<1x16xf32>,
      %swap3A_60 = vector.shape_cast %swap3A_59 : vector<1x16xf32> to vector<16xf32>
      %swap3A_61 = vector.shape_cast %broadcast_in_dim3A_1 : vector<16xf32> to vector<1x16xf32>
      tpu.vector_store %arg9[%swap3A_57, %swap3A_58], %swap3A_61 {strides = array<i32>} : memref<128x128xf32, #tpu.memory_space<vmem>>, vector<1x16xf32>,
      %swap3A_62 = arith.index_cast %add3A_27 : i32 to index
      %swap3A_63 = arith.constant 112 : index
      %swap3A_64 = tpu.vector_load %arg9[%swap3A_62, %swap3A_63] {strides = array<i32>} : memref<128x128xf32, #tpu.memory_space<vmem>>, vector<1x16xf32>,
      %swap3A_65 = vector.shape_cast %swap3A_64 : vector<1x16xf32> to vector<16xf32>
      %swap3A_66 = vector.shape_cast %broadcast_in_dim3A_1 : vector<16xf32> to vector<1x16xf32>
      tpu.vector_store %arg9[%swap3A_62, %swap3A_63], %swap3A_66 {strides = array<i32>} : memref<128x128xf32, #tpu.memory_space<vmem>>, vector<1x16xf32>,
    }
    %scan3A_5 = arith.constant 128 : i32
    %scan3A_6 = arith.constant 0 : i32
    %scan3A_7 = arith.constant 5 : i32
    %scan3A_8 = arith.addi %scan3A_6, %scan3A_7 : i32
    %scan3A_9 = arith.constant 1 : i32
    scf.for %scan3A_23 = %scan3A_6 to %scan3A_8 step %scan3A_9  : i32 {
      %mul3A_24 = arith.constant 1 : i32
      %mul3A_25 = arith.muli %scan3A_23, %mul3A_24 : i32
      %add3A_26 = arith.constant 0 : i32
      %add3A_27 = arith.addi %add3A_26, %mul3A_25 : i32
      %mul3A_28 = arith.constant 640 : i32
      %mul3A_29 = arith.muli %arg1, %mul3A_28 : i32
      %mul3A_30 = arith.constant 128 : i32
      %mul3A_31 = arith.muli %add3A_27, %mul3A_30 : i32
      %add3A_32 = arith.addi %mul3A_29, %mul3A_31 : i32
      "tpu.region"() ({
        %run_scoped3A = tpu.sem_alloc : memref<!tpu.dma_semaphore, #tpu.memory_space<semaphore_mem>>
        %dma_start3A = arith.constant 0 : i32
        %dma_start3A_33 = tpu.memref_slice %arg10[%add3A_32, %dma_start3A] : memref<10240x128xf32, #tpu.memory_space<vmem_shared>> -> memref<128x128xf32, #tpu.memory_space<vmem_shared>>
        %dma_start3A_34 = arith.constant 0 : i32
        %dma_start3A_35 = tpu.memref_slice %arg10[%add3A_32, %dma_start3A_34] : memref<10240x128xf32, #tpu.memory_space<vmem_shared>> -> memref<128x128xf32, #tpu.memory_space<vmem_shared>>
        tpu.enqueue_dma source(%arg9 : memref<128x128xf32, #tpu.memory_space<vmem>>) target(%dma_start3A_35 : memref<128x128xf32, #tpu.memory_space<vmem_shared>>) target_semaphore(%run_scoped3A : memref<!tpu.dma_semaphore, #tpu.memory_space<semaphore_mem>>)
        %dma_wait3A = arith.constant 0 : i32
        %dma_wait3A_36 = tpu.memref_slice %arg10[%add3A_32, %dma_wait3A] : memref<10240x128xf32, #tpu.memory_space<vmem_shared>> -> memref<128x128xf32, #tpu.memory_space<vmem_shared>>
        %dma_wait3A_37 = arith.constant 0 : i32
        %dma_wait3A_38 = tpu.memref_slice %arg10[%add3A_32, %dma_wait3A_37] : memref<10240x128xf32, #tpu.memory_space<vmem_shared>> -> memref<128x128xf32, #tpu.memory_space<vmem_shared>>
        tpu.wait_dma2 semaphore(%run_scoped3A : memref<!tpu.dma_semaphore, #tpu.memory_space<semaphore_mem>>) src(%arg9 : memref<128x128xf32, #tpu.memory_space<vmem>>) dst(%dma_wait3A_38 : memref<128x128xf32, #tpu.memory_space<vmem_shared>>)
        tpu.yield
      }) : () -> ()
    }
    %scan3A_10 = arith.constant 5 : i32
    %barrier3A = arith.constant 0 : index
    tpu.barrier barrier_id(%barrier3A)
    %mul3A_11 = arith.constant 10112 : i32
    %mul3A_12 = arith.muli %add3A, %mul3A_11 : i32
    %scan3A_13 = arith.constant 0 : i32
    %scan3A_14 = arith.constant 79 : i32
    %scan3A_15 = arith.addi %scan3A_13, %scan3A_14 : i32
    %scan3A_16 = arith.constant 1 : i32
    scf.for %scan3A_23 = %scan3A_13 to %scan3A_15 step %scan3A_16  : i32 {
      %mul3A_24 = arith.constant 1 : i32
      %mul3A_25 = arith.muli %scan3A_23, %mul3A_24 : i32
      %add3A_26 = arith.constant 0 : i32
      %add3A_27 = arith.addi %add3A_26, %mul3A_25 : i32
      %mul3A_28 = arith.constant 128 : i32
      %mul3A_29 = arith.muli %add3A_27, %mul3A_28 : i32
      %add3A_30 = arith.addi %mul3A_12, %mul3A_29 : i32
      %run_scoped3A = arith.constant 0 : i32
      "tpu.region"() ({
        %run_scoped3A_56 = tpu.sem_alloc : memref<!tpu.dma_semaphore, #tpu.memory_space<semaphore_mem>>
        %dma_start3A_57 = arith.constant 0 : i32
        %dma_start3A_58 = tpu.memref_slice %arg6[%run_scoped3A, %dma_start3A_57] : memref<1x128xi32, #tpu.memory_space<vmem>> -> memref<1x128xi32, #tpu.memory_space<vmem>>
        %dma_start3A_59 = tpu.memref_squeeze %dma_start3A_58 : memref<1x128xi32, #tpu.memory_space<vmem>> -> memref<128xi32, #tpu.memory_space<vmem>>
        %dma_start3A_60 = tpu.memref_slice %arg2[%add3A_30] : memref<323584xi32, #tpu.memory_space<hbm>> -> memref<128xi32, #tpu.memory_space<hbm>>
        %dma_start3A_61 = arith.constant 0 : i32
        %dma_start3A_62 = tpu.memref_slice %arg6[%run_scoped3A, %dma_start3A_61] : memref<1x128xi32, #tpu.memory_space<vmem>> -> memref<1x128xi32, #tpu.memory_space<vmem>>
        %dma_start3A_63 = tpu.memref_squeeze %dma_start3A_62 : memref<1x128xi32, #tpu.memory_space<vmem>> -> memref<128xi32, #tpu.memory_space<vmem>>
        %dma_start3A_64 = tpu.memref_slice %arg2[%add3A_30] : memref<323584xi32, #tpu.memory_space<hbm>> -> memref<128xi32, #tpu.memory_space<hbm>>
        tpu.enqueue_dma source(%dma_start3A_64 : memref<128xi32, #tpu.memory_space<hbm>>) target(%dma_start3A_63 : memref<128xi32, #tpu.memory_space<vmem>>) target_semaphore(%run_scoped3A_56 : memref<!tpu.dma_semaphore, #tpu.memory_space<semaphore_mem>>)
        %dma_wait3A_65 = arith.constant 0 : i32
        %dma_wait3A_66 = tpu.memref_slice %arg6[%run_scoped3A, %dma_wait3A_65] : memref<1x128xi32, #tpu.memory_space<vmem>> -> memref<1x128xi32, #tpu.memory_space<vmem>>
        %dma_wait3A_67 = tpu.memref_squeeze %dma_wait3A_66 : memref<1x128xi32, #tpu.memory_space<vmem>> -> memref<128xi32, #tpu.memory_space<vmem>>
        %dma_wait3A_68 = tpu.memref_slice %arg2[%add3A_30] : memref<323584xi32, #tpu.memory_space<hbm>> -> memref<128xi32, #tpu.memory_space<hbm>>
        %dma_wait3A_69 = arith.constant 0 : i32
        %dma_wait3A_70 = tpu.memref_slice %arg6[%run_scoped3A, %dma_wait3A_69] : memref<1x128xi32, #tpu.memory_space<vmem>> -> memref<1x128xi32, #tpu.memory_space<vmem>>
        %dma_wait3A_71 = tpu.memref_squeeze %dma_wait3A_70 : memref<1x128xi32, #tpu.memory_space<vmem>> -> memref<128xi32, #tpu.memory_space<vmem>>
        %dma_wait3A_72 = tpu.memref_slice %arg2[%add3A_30] : memref<323584xi32, #tpu.memory_space<hbm>> -> memref<128xi32, #tpu.memory_space<hbm>>
        tpu.wait_dma2 semaphore(%run_scoped3A_56 : memref<!tpu.dma_semaphore, #tpu.memory_space<semaphore_mem>>) src(%dma_wait3A_72 : memref<128xi32, #tpu.memory_space<hbm>>) dst(%dma_wait3A_71 : memref<128xi32, #tpu.memory_space<vmem>>)
        tpu.yield
      }) : () -> ()
      %run_scoped3A_31 = arith.constant 0 : i32
      "tpu.region"() ({
        %run_scoped3A_56 = tpu.sem_alloc : memref<!tpu.dma_semaphore, #tpu.memory_space<semaphore_mem>>
        %dma_start3A_57 = arith.constant 0 : i32
        %dma_start3A_58 = tpu.memref_slice %arg7[%run_scoped3A_31, %dma_start3A_57] : memref<1x128xi32, #tpu.memory_space<vmem>> -> memref<1x128xi32, #tpu.memory_space<vmem>>
        %dma_start3A_59 = tpu.memref_squeeze %dma_start3A_58 : memref<1x128xi32, #tpu.memory_space<vmem>> -> memref<128xi32, #tpu.memory_space<vmem>>
        %dma_start3A_60 = tpu.memref_slice %arg3[%add3A_30] : memref<323584xi32, #tpu.memory_space<hbm>> -> memref<128xi32, #tpu.memory_space<hbm>>
        %dma_start3A_61 = arith.constant 0 : i32
        %dma_start3A_62 = tpu.memref_slice %arg7[%run_scoped3A_31, %dma_start3A_61] : memref<1x128xi32, #tpu.memory_space<vmem>> -> memref<1x128xi32, #tpu.memory_space<vmem>>
        %dma_start3A_63 = tpu.memref_squeeze %dma_start3A_62 : memref<1x128xi32, #tpu.memory_space<vmem>> -> memref<128xi32, #tpu.memory_space<vmem>>
        %dma_start3A_64 = tpu.memref_slice %arg3[%add3A_30] : memref<323584xi32, #tpu.memory_space<hbm>> -> memref<128xi32, #tpu.memory_space<hbm>>
        tpu.enqueue_dma source(%dma_start3A_64 : memref<128xi32, #tpu.memory_space<hbm>>) target(%dma_start3A_63 : memref<128xi32, #tpu.memory_space<vmem>>) target_semaphore(%run_scoped3A_56 : memref<!tpu.dma_semaphore, #tpu.memory_space<semaphore_mem>>)
        %dma_wait3A_65 = arith.constant 0 : i32
        %dma_wait3A_66 = tpu.memref_slice %arg7[%run_scoped3A_31, %dma_wait3A_65] : memref<1x128xi32, #tpu.memory_space<vmem>> -> memref<1x128xi32, #tpu.memory_space<vmem>>
        %dma_wait3A_67 = tpu.memref_squeeze %dma_wait3A_66 : memref<1x128xi32, #tpu.memory_space<vmem>> -> memref<128xi32, #tpu.memory_space<vmem>>
        %dma_wait3A_68 = tpu.memref_slice %arg3[%add3A_30] : memref<323584xi32, #tpu.memory_space<hbm>> -> memref<128xi32, #tpu.memory_space<hbm>>
        %dma_wait3A_69 = arith.constant 0 : i32
        %dma_wait3A_70 = tpu.memref_slice %arg7[%run_scoped3A_31, %dma_wait3A_69] : memref<1x128xi32, #tpu.memory_space<vmem>> -> memref<1x128xi32, #tpu.memory_space<vmem>>
        %dma_wait3A_71 = tpu.memref_squeeze %dma_wait3A_70 : memref<1x128xi32, #tpu.memory_space<vmem>> -> memref<128xi32, #tpu.memory_space<vmem>>
        %dma_wait3A_72 = tpu.memref_slice %arg3[%add3A_30] : memref<323584xi32, #tpu.memory_space<hbm>> -> memref<128xi32, #tpu.memory_space<hbm>>
        tpu.wait_dma2 semaphore(%run_scoped3A_56 : memref<!tpu.dma_semaphore, #tpu.memory_space<semaphore_mem>>) src(%dma_wait3A_72 : memref<128xi32, #tpu.memory_space<hbm>>) dst(%dma_wait3A_71 : memref<128xi32, #tpu.memory_space<vmem>>)
        tpu.yield
      }) : () -> ()
      %dma_start3A = arith.constant 0 : i32
      %dma_start3A_32 = arith.constant 0 : i32
      %dma_start3A_33 = arith.constant 0 : i32
      %dma_start3A_34 = arith.constant 0 : i32
      %dma_start3A_35 = tpu.memref_slice %arg8[%dma_start3A_32, %dma_start3A_33, %dma_start3A_34] : memref<1x128x128xf32, #tpu.memory_space<vmem>> -> memref<1x128x128xf32, #tpu.memory_space<vmem>>
      %dma_start3A_36 = tpu.memref_squeeze %dma_start3A_35 : memref<1x128x128xf32, #tpu.memory_space<vmem>> -> memref<128x128xf32, #tpu.memory_space<vmem>>
      %dma_start3A_37 = arith.constant 0 : i32
      %dma_start3A_38 = tpu.memref_slice %arg6[%dma_start3A, %dma_start3A_37] : memref<1x128xi32, #tpu.memory_space<vmem>> -> memref<1x128xi32, #tpu.memory_space<vmem>>
      %dma_start3A_39 = tpu.memref_squeeze %dma_start3A_38 : memref<1x128xi32, #tpu.memory_space<vmem>> -> memref<128xi32, #tpu.memory_space<vmem>>
      %dma_start3A_40 = arith.constant 0 : i32
      %dma_start3A_41 = arith.constant 0 : i32
      %dma_start3A_42 = tpu.memref_slice %arg4[%dma_start3A_40, %dma_start3A_41] : memref<10000x128xf32, #tpu.memory_space<hbm>> -> memref<10000x128xf32, #tpu.memory_space<hbm>>
      tpu.enqueue_indirect_dma source(%dma_start3A_42 : memref<10000x128xf32, #tpu.memory_space<hbm>>) target(%dma_start3A_36 : memref<128x128xf32, #tpu.memory_space<vmem>>) offsets(%dma_start3A_39 : memref<128xi32, #tpu.memory_space<vmem>>) semaphore(%arg11 : memref<!tpu.dma_semaphore, #tpu.memory_space<semaphore_mem>>)
      %dma_wait3A = arith.constant 0 : i32
      %dma_wait3A_43 = arith.constant 0 : i32
      %dma_wait3A_44 = arith.constant 0 : i32
      %dma_wait3A_45 = arith.constant 0 : i32
      %dma_wait3A_46 = tpu.memref_slice %arg8[%dma_wait3A_43, %dma_wait3A_44, %dma_wait3A_45] : memref<1x128x128xf32, #tpu.memory_space<vmem>> -> memref<1x128x128xf32, #tpu.memory_space<vmem>>
      %dma_wait3A_47 = tpu.memref_squeeze %dma_wait3A_46 : memref<1x128x128xf32, #tpu.memory_space<vmem>> -> memref<128x128xf32, #tpu.memory_space<vmem>>
      %dma_wait3A_48 = arith.constant 0 : i32
      %dma_wait3A_49 = tpu.memref_slice %arg6[%dma_wait3A, %dma_wait3A_48] : memref<1x128xi32, #tpu.memory_space<vmem>> -> memref<1x128xi32, #tpu.memory_space<vmem>>
      %dma_wait3A_50 = tpu.memref_squeeze %dma_wait3A_49 : memref<1x128xi32, #tpu.memory_space<vmem>> -> memref<128xi32, #tpu.memory_space<vmem>>
      %dma_wait3A_51 = arith.constant 0 : i32
      %dma_wait3A_52 = arith.constant 0 : i32
      %dma_wait3A_53 = tpu.memref_slice %arg4[%dma_wait3A_51, %dma_wait3A_52] : memref<10000x128xf32, #tpu.memory_space<hbm>> -> memref<10000x128xf32, #tpu.memory_space<hbm>>
      tpu.wait_indirect_dma semaphore(%arg11 : memref<!tpu.dma_semaphore, #tpu.memory_space<semaphore_mem>>) src(%dma_wait3A_53 : memref<10000x128xf32, #tpu.memory_space<hbm>>) dst(%dma_wait3A_47 : memref<128x128xf32, #tpu.memory_space<vmem>>)
      %run_scoped3A_54 = arith.constant 0 : i32
      %run_scoped3A_55 = arith.constant 0 : i32
      "tpu.region"() ({
        %run_scoped3A_56 = tpu.sem_alloc : memref<!tpu.dma_semaphore, #tpu.memory_space<semaphore_mem>>
        %dma_start3A_57 = arith.constant 0 : i32
        %dma_start3A_58 = arith.constant 0 : i32
        %dma_start3A_59 = tpu.memref_slice %arg8[%run_scoped3A_54, %dma_start3A_57, %dma_start3A_58] : memref<1x128x128xf32, #tpu.memory_space<vmem>> -> memref<1x128x128xf32, #tpu.memory_space<vmem>>
        %dma_start3A_60 = tpu.memref_squeeze %dma_start3A_59 : memref<1x128x128xf32, #tpu.memory_space<vmem>> -> memref<128x128xf32, #tpu.memory_space<vmem>>
        %dma_start3A_61 = arith.constant 0 : i32
        %dma_start3A_62 = tpu.memref_slice %arg7[%run_scoped3A_55, %dma_start3A_61] : memref<1x128xi32, #tpu.memory_space<vmem>> -> memref<1x128xi32, #tpu.memory_space<vmem>>
        %dma_start3A_63 = tpu.memref_squeeze %dma_start3A_62 : memref<1x128xi32, #tpu.memory_space<vmem>> -> memref<128xi32, #tpu.memory_space<vmem>>
        %dma_start3A_64 = arith.constant 0 : i32
        %dma_start3A_65 = arith.constant 0 : i32
        %dma_start3A_66 = tpu.memref_slice %arg10[%dma_start3A_64, %dma_start3A_65] : memref<10240x128xf32, #tpu.memory_space<vmem_shared>> -> memref<10240x128xf32, #tpu.memory_space<vmem_shared>>
        tpu.enqueue_indirect_dma source(%dma_start3A_60 : memref<128x128xf32, #tpu.memory_space<vmem>>) target(%dma_start3A_66 : memref<10240x128xf32, #tpu.memory_space<vmem_shared>>) offsets(%dma_start3A_63 : memref<128xi32, #tpu.memory_space<vmem>>) semaphore(%run_scoped3A_56 : memref<!tpu.dma_semaphore, #tpu.memory_space<semaphore_mem>>) {add = true}
        %dma_wait3A_67 = arith.constant 0 : i32
        %dma_wait3A_68 = arith.constant 0 : i32
        %dma_wait3A_69 = tpu.memref_slice %arg8[%run_scoped3A_54, %dma_wait3A_67, %dma_wait3A_68] : memref<1x128x128xf32, #tpu.memory_space<vmem>> -> memref<1x128x128xf32, #tpu.memory_space<vmem>>
        %dma_wait3A_70 = tpu.memref_squeeze %dma_wait3A_69 : memref<1x128x128xf32, #tpu.memory_space<vmem>> -> memref<128x128xf32, #tpu.memory_space<vmem>>
        %dma_wait3A_71 = arith.constant 0 : i32
        %dma_wait3A_72 = tpu.memref_slice %arg7[%run_scoped3A_55, %dma_wait3A_71] : memref<1x128xi32, #tpu.memory_space<vmem>> -> memref<1x128xi32, #tpu.memory_space<vmem>>
        %dma_wait3A_73 = tpu.memref_squeeze %dma_wait3A_72 : memref<1x128xi32, #tpu.memory_space<vmem>> -> memref<128xi32, #tpu.memory_space<vmem>>
        %dma_wait3A_74 = arith.constant 0 : i32
        %dma_wait3A_75 = arith.constant 0 : i32
        %dma_wait3A_76 = tpu.memref_slice %arg10[%dma_wait3A_74, %dma_wait3A_75] : memref<10240x128xf32, #tpu.memory_space<vmem_shared>> -> memref<10240x128xf32, #tpu.memory_space<vmem_shared>>
        tpu.wait_indirect_dma semaphore(%run_scoped3A_56 : memref<!tpu.dma_semaphore, #tpu.memory_space<semaphore_mem>>) src(%dma_wait3A_70 : memref<128x128xf32, #tpu.memory_space<vmem>>) dst(%dma_wait3A_76 : memref<10240x128xf32, #tpu.memory_space<vmem_shared>>)
        tpu.yield
      }) : () -> ()
    }
    %scan3A_17 = arith.constant 79 : i32
    %barrier3A_18 = arith.constant 0 : index
    tpu.barrier barrier_id(%barrier3A_18)
    %mul3A_19 = arith.constant 640 : i32
    %mul3A_20 = arith.muli %arg1, %mul3A_19 : i32
    %mul3A_21 = arith.constant 640 : i32
    %mul3A_22 = arith.muli %arg1, %mul3A_21 : i32
    "tpu.region"() ({
      %run_scoped3A = tpu.sem_alloc : memref<!tpu.dma_semaphore, #tpu.memory_space<semaphore_mem>>
      %dma_start3A = arith.constant 0 : i32
      %dma_start3A_23 = tpu.memref_slice %arg5[%arg0, %mul3A_22, %dma_start3A] : memref<2x10240x128xf32, #tpu.memory_space<hbm>> -> memref<1x640x128xf32, #tpu.memory_space<hbm>>
      %dma_start3A_24 = tpu.memref_squeeze %dma_start3A_23 : memref<1x640x128xf32, #tpu.memory_space<hbm>> -> memref<640x128xf32, #tpu.memory_space<hbm>>
      %dma_start3A_25 = arith.constant 0 : i32
      %dma_start3A_26 = tpu.memref_slice %arg10[%mul3A_20, %dma_start3A_25] : memref<10240x128xf32, #tpu.memory_space<vmem_shared>> -> memref<640x128xf32, #tpu.memory_space<vmem_shared>>
      tpu.enqueue_dma source(%dma_start3A_26 : memref<640x128xf32, #tpu.memory_space<vmem_shared>>) target(%dma_start3A_24 : memref<640x128xf32, #tpu.memory_space<hbm>>) target_semaphore(%run_scoped3A : memref<!tpu.dma_semaphore, #tpu.memory_space<semaphore_mem>>)
      %dma_wait3A = arith.constant 0 : i32
      %dma_wait3A_27 = tpu.memref_slice %arg5[%arg0, %mul3A_22, %dma_wait3A] : memref<2x10240x128xf32, #tpu.memory_space<hbm>> -> memref<1x640x128xf32, #tpu.memory_space<hbm>>
      %dma_wait3A_28 = tpu.memref_squeeze %dma_wait3A_27 : memref<1x640x128xf32, #tpu.memory_space<hbm>> -> memref<640x128xf32, #tpu.memory_space<hbm>>
      %dma_wait3A_29 = arith.constant 0 : i32
      %dma_wait3A_30 = tpu.memref_slice %arg10[%mul3A_20, %dma_wait3A_29] : memref<10240x128xf32, #tpu.memory_space<vmem_shared>> -> memref<640x128xf32, #tpu.memory_space<vmem_shared>>
      tpu.wait_dma2 semaphore(%run_scoped3A : memref<!tpu.dma_semaphore, #tpu.memory_space<semaphore_mem>>) src(%dma_wait3A_30 : memref<640x128xf32, #tpu.memory_space<vmem_shared>>) dst(%dma_wait3A_28 : memref<640x128xf32, #tpu.memory_space<hbm>>)
      tpu.yield
    }) : () -> ()
    return
  }
}

#map = affine_map<(d0, d1) -> (0)>
#map1 = affine_map<(d0, d1) -> (0, 0)>
#map2 = affine_map<(d0, d1) -> (0, 0, 0)>
module attributes {stable_mosaic.version = 14 : i64} {
  func.func @sc_aggregate(%arg0: i32, %arg1: i32, %arg2: memref<323584xi32, #tpu.memory_space<hbm>>, %arg3: memref<323584xi32, #tpu.memory_space<hbm>>, %arg4: memref<10000x128xf32, #tpu.memory_space<hbm>>, %arg5: memref<2x10240x128xf32, #tpu.memory_space<hbm>>, %arg6: memref<1x128xi32, #tpu.memory_space<vmem>>, %arg7: memref<1x128xi32, #tpu.memory_space<vmem>>, %arg8: memref<1x128x128xf32, #tpu.memory_space<vmem>>, %arg9: memref<128x128xf32, #tpu.memory_space<vmem>>, %arg10: memref<10240x128xf32, #tpu.memory_space<vmem_shared>>, %arg11: memref<!tpu.dma_semaphore, #tpu.memory_space<semaphore_mem>>) attributes {dimension_semantics = [#tpu.dimension_semantics<core_parallel>, #tpu.dimension_semantics<subcore_parallel>], iteration_bounds = array<i64: 2, 16>, scalar_prefetch = 0 : i64, scratch_operands = 6 : i64, tpu.core_type = #tpu.core_type<sc_vector_subcore>, window_params = [{transform_indices = #map}, {transform_indices = #map}, {transform_indices = #map1}, {transform_indices = #map2}]} {
    %mul3A = arith.constant 16 : i32
    %mul3A_0 = arith.muli %arg0, %mul3A : i32
    %add3A = arith.addi %mul3A_0, %arg1 : i32
    %broadcast_in_dim3A = arith.constant 0.000000e+00 : f32
    %broadcast_in_dim3A_1 = vector.broadcast %broadcast_in_dim3A : f32 to vector<16xf32>
    %scan3A = arith.constant 0 : i32
    %scan3A_2 = arith.constant 128 : i32
    %scan3A_3 = arith.addi %scan3A, %scan3A_2 : i32
    %scan3A_4 = arith.constant 1 : i32
    scf.for %scan3A_23 = %scan3A to %scan3A_3 step %scan3A_4  : i32 {
      %mul3A_24 = arith.constant 1 : i32
      %mul3A_25 = arith.muli %scan3A_23, %mul3A_24 : i32
      %add3A_26 = arith.constant 0 : i32
      %add3A_27 = arith.addi %add3A_26, %mul3A_25 : i32
      %swap3A = arith.index_cast %add3A_27 : i32 to index
      %swap3A_28 = arith.constant 0 : index
      %swap3A_29 = tpu.vector_load %arg9[%swap3A, %swap3A_28] {strides = array<i32>} : memref<128x128xf32, #tpu.memory_space<vmem>>, vector<1x16xf32>,
      %swap3A_30 = vector.shape_cast %swap3A_29 : vector<1x16xf32> to vector<16xf32>
      %swap3A_31 = vector.shape_cast %broadcast_in_dim3A_1 : vector<16xf32> to vector<1x16xf32>
      tpu.vector_store %arg9[%swap3A, %swap3A_28], %swap3A_31 {strides = array<i32>} : memref<128x128xf32, #tpu.memory_space<vmem>>, vector<1x16xf32>,
      %swap3A_32 = arith.index_cast %add3A_27 : i32 to index
      %swap3A_33 = arith.constant 16 : index
      %swap3A_34 = tpu.vector_load %arg9[%swap3A_32, %swap3A_33] {strides = array<i32>} : memref<128x128xf32, #tpu.memory_space<vmem>>, vector<1x16xf32>,
      %swap3A_35 = vector.shape_cast %swap3A_34 : vector<1x16xf32> to vector<16xf32>
      %swap3A_36 = vector.shape_cast %broadcast_in_dim3A_1 : vector<16xf32> to vector<1x16xf32>
      tpu.vector_store %arg9[%swap3A_32, %swap3A_33], %swap3A_36 {strides = array<i32>} : memref<128x128xf32, #tpu.memory_space<vmem>>, vector<1x16xf32>,
      %swap3A_37 = arith.index_cast %add3A_27 : i32 to index
      %swap3A_38 = arith.constant 32 : index
      %swap3A_39 = tpu.vector_load %arg9[%swap3A_37, %swap3A_38] {strides = array<i32>} : memref<128x128xf32, #tpu.memory_space<vmem>>, vector<1x16xf32>,
      %swap3A_40 = vector.shape_cast %swap3A_39 : vector<1x16xf32> to vector<16xf32>
      %swap3A_41 = vector.shape_cast %broadcast_in_dim3A_1 : vector<16xf32> to vector<1x16xf32>
      tpu.vector_store %arg9[%swap3A_37, %swap3A_38], %swap3A_41 {strides = array<i32>} : memref<128x128xf32, #tpu.memory_space<vmem>>, vector<1x16xf32>,
      %swap3A_42 = arith.index_cast %add3A_27 : i32 to index
      %swap3A_43 = arith.constant 48 : index
      %swap3A_44 = tpu.vector_load %arg9[%swap3A_42, %swap3A_43] {strides = array<i32>} : memref<128x128xf32, #tpu.memory_space<vmem>>, vector<1x16xf32>,
      %swap3A_45 = vector.shape_cast %swap3A_44 : vector<1x16xf32> to vector<16xf32>
      %swap3A_46 = vector.shape_cast %broadcast_in_dim3A_1 : vector<16xf32> to vector<1x16xf32>
      tpu.vector_store %arg9[%swap3A_42, %swap3A_43], %swap3A_46 {strides = array<i32>} : memref<128x128xf32, #tpu.memory_space<vmem>>, vector<1x16xf32>,
      %swap3A_47 = arith.index_cast %add3A_27 : i32 to index
      %swap3A_48 = arith.constant 64 : index
      %swap3A_49 = tpu.vector_load %arg9[%swap3A_47, %swap3A_48] {strides = array<i32>} : memref<128x128xf32, #tpu.memory_space<vmem>>, vector<1x16xf32>,
      %swap3A_50 = vector.shape_cast %swap3A_49 : vector<1x16xf32> to vector<16xf32>
      %swap3A_51 = vector.shape_cast %broadcast_in_dim3A_1 : vector<16xf32> to vector<1x16xf32>
      tpu.vector_store %arg9[%swap3A_47, %swap3A_48], %swap3A_51 {strides = array<i32>} : memref<128x128xf32, #tpu.memory_space<vmem>>, vector<1x16xf32>,
      %swap3A_52 = arith.index_cast %add3A_27 : i32 to index
      %swap3A_53 = arith.constant 80 : index
      %swap3A_54 = tpu.vector_load %arg9[%swap3A_52, %swap3A_53] {strides = array<i32>} : memref<128x128xf32, #tpu.memory_space<vmem>>, vector<1x16xf32>,
      %swap3A_55 = vector.shape_cast %swap3A_54 : vector<1x16xf32> to vector<16xf32>
      %swap3A_56 = vector.shape_cast %broadcast_in_dim3A_1 : vector<16xf32> to vector<1x16xf32>
      tpu.vector_store %arg9[%swap3A_52, %swap3A_53], %swap3A_56 {strides = array<i32>} : memref<128x128xf32, #tpu.memory_space<vmem>>, vector<1x16xf32>,
      %swap3A_57 = arith.index_cast %add3A_27 : i32 to index
      %swap3A_58 = arith.constant 96 : index
      %swap3A_59 = tpu.vector_load %arg9[%swap3A_57, %swap3A_58] {strides = array<i32>} : memref<128x128xf32, #tpu.memory_space<vmem>>, vector<1x16xf32>,
      %swap3A_60 = vector.shape_cast %swap3A_59 : vector<1x16xf32> to vector<16xf32>
      %swap3A_61 = vector.shape_cast %broadcast_in_dim3A_1 : vector<16xf32> to vector<1x16xf32>
      tpu.vector_store %arg9[%swap3A_57, %swap3A_58], %swap3A_61 {strides = array<i32>} : memref<128x128xf32, #tpu.memory_space<vmem>>, vector<1x16xf32>,
      %swap3A_62 = arith.index_cast %add3A_27 : i32 to index
      %swap3A_63 = arith.constant 112 : index
      %swap3A_64 = tpu.vector_load %arg9[%swap3A_62, %swap3A_63] {strides = array<i32>} : memref<128x128xf32, #tpu.memory_space<vmem>>, vector<1x16xf32>,
      %swap3A_65 = vector.shape_cast %swap3A_64 : vector<1x16xf32> to vector<16xf32>
      %swap3A_66 = vector.shape_cast %broadcast_in_dim3A_1 : vector<16xf32> to vector<1x16xf32>
      tpu.vector_store %arg9[%swap3A_62, %swap3A_63], %swap3A_66 {strides = array<i32>} : memref<128x128xf32, #tpu.memory_space<vmem>>, vector<1x16xf32>,
    }
    %scan3A_5 = arith.constant 128 : i32
    %scan3A_6 = arith.constant 0 : i32
    %scan3A_7 = arith.constant 5 : i32
    %scan3A_8 = arith.addi %scan3A_6, %scan3A_7 : i32
    %scan3A_9 = arith.constant 1 : i32
    scf.for %scan3A_23 = %scan3A_6 to %scan3A_8 step %scan3A_9  : i32 {
      %mul3A_24 = arith.constant 1 : i32
      %mul3A_25 = arith.muli %scan3A_23, %mul3A_24 : i32
      %add3A_26 = arith.constant 0 : i32
      %add3A_27 = arith.addi %add3A_26, %mul3A_25 : i32
      %mul3A_28 = arith.constant 640 : i32
      %mul3A_29 = arith.muli %arg1, %mul3A_28 : i32
      %mul3A_30 = arith.constant 128 : i32
      %mul3A_31 = arith.muli %add3A_27, %mul3A_30 : i32
      %add3A_32 = arith.addi %mul3A_29, %mul3A_31 : i32
      "tpu.region"() ({
        %run_scoped3A = tpu.sem_alloc : memref<!tpu.dma_semaphore, #tpu.memory_space<semaphore_mem>>
        %dma_start3A = arith.constant 0 : i32
        %dma_start3A_33 = tpu.memref_slice %arg10[%add3A_32, %dma_start3A] : memref<10240x128xf32, #tpu.memory_space<vmem_shared>> -> memref<128x128xf32, #tpu.memory_space<vmem_shared>>
        %dma_start3A_34 = arith.constant 0 : i32
        %dma_start3A_35 = tpu.memref_slice %arg10[%add3A_32, %dma_start3A_34] : memref<10240x128xf32, #tpu.memory_space<vmem_shared>> -> memref<128x128xf32, #tpu.memory_space<vmem_shared>>
        tpu.enqueue_dma source(%arg9 : memref<128x128xf32, #tpu.memory_space<vmem>>) target(%dma_start3A_35 : memref<128x128xf32, #tpu.memory_space<vmem_shared>>) target_semaphore(%run_scoped3A : memref<!tpu.dma_semaphore, #tpu.memory_space<semaphore_mem>>)
        %dma_wait3A = arith.constant 0 : i32
        %dma_wait3A_36 = tpu.memref_slice %arg10[%add3A_32, %dma_wait3A] : memref<10240x128xf32, #tpu.memory_space<vmem_shared>> -> memref<128x128xf32, #tpu.memory_space<vmem_shared>>
        %dma_wait3A_37 = arith.constant 0 : i32
        %dma_wait3A_38 = tpu.memref_slice %arg10[%add3A_32, %dma_wait3A_37] : memref<10240x128xf32, #tpu.memory_space<vmem_shared>> -> memref<128x128xf32, #tpu.memory_space<vmem_shared>>
        tpu.wait_dma2 semaphore(%run_scoped3A : memref<!tpu.dma_semaphore, #tpu.memory_space<semaphore_mem>>) src(%arg9 : memref<128x128xf32, #tpu.memory_space<vmem>>) dst(%dma_wait3A_38 : memref<128x128xf32, #tpu.memory_space<vmem_shared>>)
        tpu.yield
      }) : () -> ()
    }
    %scan3A_10 = arith.constant 5 : i32
    %barrier3A = arith.constant 0 : index
    tpu.barrier barrier_id(%barrier3A)
    %mul3A_11 = arith.constant 10112 : i32
    %mul3A_12 = arith.muli %add3A, %mul3A_11 : i32
    %scan3A_13 = arith.constant 0 : i32
    %scan3A_14 = arith.constant 79 : i32
    %scan3A_15 = arith.addi %scan3A_13, %scan3A_14 : i32
    %scan3A_16 = arith.constant 1 : i32
    scf.for %scan3A_23 = %scan3A_13 to %scan3A_15 step %scan3A_16  : i32 {
      %mul3A_24 = arith.constant 1 : i32
      %mul3A_25 = arith.muli %scan3A_23, %mul3A_24 : i32
      %add3A_26 = arith.constant 0 : i32
      %add3A_27 = arith.addi %add3A_26, %mul3A_25 : i32
      %mul3A_28 = arith.constant 128 : i32
      %mul3A_29 = arith.muli %add3A_27, %mul3A_28 : i32
      %add3A_30 = arith.addi %mul3A_12, %mul3A_29 : i32
      %run_scoped3A = arith.constant 0 : i32
      "tpu.region"() ({
        %run_scoped3A_56 = tpu.sem_alloc : memref<!tpu.dma_semaphore, #tpu.memory_space<semaphore_mem>>
        %dma_start3A_57 = arith.constant 0 : i32
        %dma_start3A_58 = tpu.memref_slice %arg6[%run_scoped3A, %dma_start3A_57] : memref<1x128xi32, #tpu.memory_space<vmem>> -> memref<1x128xi32, #tpu.memory_space<vmem>>
        %dma_start3A_59 = tpu.memref_squeeze %dma_start3A_58 : memref<1x128xi32, #tpu.memory_space<vmem>> -> memref<128xi32, #tpu.memory_space<vmem>>
        %dma_start3A_60 = tpu.memref_slice %arg2[%add3A_30] : memref<323584xi32, #tpu.memory_space<hbm>> -> memref<128xi32, #tpu.memory_space<hbm>>
        %dma_start3A_61 = arith.constant 0 : i32
        %dma_start3A_62 = tpu.memref_slice %arg6[%run_scoped3A, %dma_start3A_61] : memref<1x128xi32, #tpu.memory_space<vmem>> -> memref<1x128xi32, #tpu.memory_space<vmem>>
        %dma_start3A_63 = tpu.memref_squeeze %dma_start3A_62 : memref<1x128xi32, #tpu.memory_space<vmem>> -> memref<128xi32, #tpu.memory_space<vmem>>
        %dma_start3A_64 = tpu.memref_slice %arg2[%add3A_30] : memref<323584xi32, #tpu.memory_space<hbm>> -> memref<128xi32, #tpu.memory_space<hbm>>
        tpu.enqueue_dma source(%dma_start3A_64 : memref<128xi32, #tpu.memory_space<hbm>>) target(%dma_start3A_63 : memref<128xi32, #tpu.memory_space<vmem>>) target_semaphore(%run_scoped3A_56 : memref<!tpu.dma_semaphore, #tpu.memory_space<semaphore_mem>>)
        %dma_wait3A_65 = arith.constant 0 : i32
        %dma_wait3A_66 = tpu.memref_slice %arg6[%run_scoped3A, %dma_wait3A_65] : memref<1x128xi32, #tpu.memory_space<vmem>> -> memref<1x128xi32, #tpu.memory_space<vmem>>
        %dma_wait3A_67 = tpu.memref_squeeze %dma_wait3A_66 : memref<1x128xi32, #tpu.memory_space<vmem>> -> memref<128xi32, #tpu.memory_space<vmem>>
        %dma_wait3A_68 = tpu.memref_slice %arg2[%add3A_30] : memref<323584xi32, #tpu.memory_space<hbm>> -> memref<128xi32, #tpu.memory_space<hbm>>
        %dma_wait3A_69 = arith.constant 0 : i32
        %dma_wait3A_70 = tpu.memref_slice %arg6[%run_scoped3A, %dma_wait3A_69] : memref<1x128xi32, #tpu.memory_space<vmem>> -> memref<1x128xi32, #tpu.memory_space<vmem>>
        %dma_wait3A_71 = tpu.memref_squeeze %dma_wait3A_70 : memref<1x128xi32, #tpu.memory_space<vmem>> -> memref<128xi32, #tpu.memory_space<vmem>>
        %dma_wait3A_72 = tpu.memref_slice %arg2[%add3A_30] : memref<323584xi32, #tpu.memory_space<hbm>> -> memref<128xi32, #tpu.memory_space<hbm>>
        tpu.wait_dma2 semaphore(%run_scoped3A_56 : memref<!tpu.dma_semaphore, #tpu.memory_space<semaphore_mem>>) src(%dma_wait3A_72 : memref<128xi32, #tpu.memory_space<hbm>>) dst(%dma_wait3A_71 : memref<128xi32, #tpu.memory_space<vmem>>)
        tpu.yield
      }) : () -> ()
      %run_scoped3A_31 = arith.constant 0 : i32
      "tpu.region"() ({
        %run_scoped3A_56 = tpu.sem_alloc : memref<!tpu.dma_semaphore, #tpu.memory_space<semaphore_mem>>
        %dma_start3A_57 = arith.constant 0 : i32
        %dma_start3A_58 = tpu.memref_slice %arg7[%run_scoped3A_31, %dma_start3A_57] : memref<1x128xi32, #tpu.memory_space<vmem>> -> memref<1x128xi32, #tpu.memory_space<vmem>>
        %dma_start3A_59 = tpu.memref_squeeze %dma_start3A_58 : memref<1x128xi32, #tpu.memory_space<vmem>> -> memref<128xi32, #tpu.memory_space<vmem>>
        %dma_start3A_60 = tpu.memref_slice %arg3[%add3A_30] : memref<323584xi32, #tpu.memory_space<hbm>> -> memref<128xi32, #tpu.memory_space<hbm>>
        %dma_start3A_61 = arith.constant 0 : i32
        %dma_start3A_62 = tpu.memref_slice %arg7[%run_scoped3A_31, %dma_start3A_61] : memref<1x128xi32, #tpu.memory_space<vmem>> -> memref<1x128xi32, #tpu.memory_space<vmem>>
        %dma_start3A_63 = tpu.memref_squeeze %dma_start3A_62 : memref<1x128xi32, #tpu.memory_space<vmem>> -> memref<128xi32, #tpu.memory_space<vmem>>
        %dma_start3A_64 = tpu.memref_slice %arg3[%add3A_30] : memref<323584xi32, #tpu.memory_space<hbm>> -> memref<128xi32, #tpu.memory_space<hbm>>
        tpu.enqueue_dma source(%dma_start3A_64 : memref<128xi32, #tpu.memory_space<hbm>>) target(%dma_start3A_63 : memref<128xi32, #tpu.memory_space<vmem>>) target_semaphore(%run_scoped3A_56 : memref<!tpu.dma_semaphore, #tpu.memory_space<semaphore_mem>>)
        %dma_wait3A_65 = arith.constant 0 : i32
        %dma_wait3A_66 = tpu.memref_slice %arg7[%run_scoped3A_31, %dma_wait3A_65] : memref<1x128xi32, #tpu.memory_space<vmem>> -> memref<1x128xi32, #tpu.memory_space<vmem>>
        %dma_wait3A_67 = tpu.memref_squeeze %dma_wait3A_66 : memref<1x128xi32, #tpu.memory_space<vmem>> -> memref<128xi32, #tpu.memory_space<vmem>>
        %dma_wait3A_68 = tpu.memref_slice %arg3[%add3A_30] : memref<323584xi32, #tpu.memory_space<hbm>> -> memref<128xi32, #tpu.memory_space<hbm>>
        %dma_wait3A_69 = arith.constant 0 : i32
        %dma_wait3A_70 = tpu.memref_slice %arg7[%run_scoped3A_31, %dma_wait3A_69] : memref<1x128xi32, #tpu.memory_space<vmem>> -> memref<1x128xi32, #tpu.memory_space<vmem>>
        %dma_wait3A_71 = tpu.memref_squeeze %dma_wait3A_70 : memref<1x128xi32, #tpu.memory_space<vmem>> -> memref<128xi32, #tpu.memory_space<vmem>>
        %dma_wait3A_72 = tpu.memref_slice %arg3[%add3A_30] : memref<323584xi32, #tpu.memory_space<hbm>> -> memref<128xi32, #tpu.memory_space<hbm>>
        tpu.wait_dma2 semaphore(%run_scoped3A_56 : memref<!tpu.dma_semaphore, #tpu.memory_space<semaphore_mem>>) src(%dma_wait3A_72 : memref<128xi32, #tpu.memory_space<hbm>>) dst(%dma_wait3A_71 : memref<128xi32, #tpu.memory_space<vmem>>)
        tpu.yield
      }) : () -> ()
      %dma_start3A = arith.constant 0 : i32
      %dma_start3A_32 = arith.constant 0 : i32
      %dma_start3A_33 = arith.constant 0 : i32
      %dma_start3A_34 = arith.constant 0 : i32
      %dma_start3A_35 = tpu.memref_slice %arg8[%dma_start3A_32, %dma_start3A_33, %dma_start3A_34] : memref<1x128x128xf32, #tpu.memory_space<vmem>> -> memref<1x128x128xf32, #tpu.memory_space<vmem>>
      %dma_start3A_36 = tpu.memref_squeeze %dma_start3A_35 : memref<1x128x128xf32, #tpu.memory_space<vmem>> -> memref<128x128xf32, #tpu.memory_space<vmem>>
      %dma_start3A_37 = arith.constant 0 : i32
      %dma_start3A_38 = tpu.memref_slice %arg6[%dma_start3A, %dma_start3A_37] : memref<1x128xi32, #tpu.memory_space<vmem>> -> memref<1x128xi32, #tpu.memory_space<vmem>>
      %dma_start3A_39 = tpu.memref_squeeze %dma_start3A_38 : memref<1x128xi32, #tpu.memory_space<vmem>> -> memref<128xi32, #tpu.memory_space<vmem>>
      %dma_start3A_40 = arith.constant 0 : i32
      %dma_start3A_41 = arith.constant 0 : i32
      %dma_start3A_42 = tpu.memref_slice %arg4[%dma_start3A_40, %dma_start3A_41] : memref<10000x128xf32, #tpu.memory_space<hbm>> -> memref<10000x128xf32, #tpu.memory_space<hbm>>
      tpu.enqueue_indirect_dma source(%dma_start3A_42 : memref<10000x128xf32, #tpu.memory_space<hbm>>) target(%dma_start3A_36 : memref<128x128xf32, #tpu.memory_space<vmem>>) offsets(%dma_start3A_39 : memref<128xi32, #tpu.memory_space<vmem>>) semaphore(%arg11 : memref<!tpu.dma_semaphore, #tpu.memory_space<semaphore_mem>>)
      %dma_wait3A = arith.constant 0 : i32
      %dma_wait3A_43 = arith.constant 0 : i32
      %dma_wait3A_44 = arith.constant 0 : i32
      %dma_wait3A_45 = arith.constant 0 : i32
      %dma_wait3A_46 = tpu.memref_slice %arg8[%dma_wait3A_43, %dma_wait3A_44, %dma_wait3A_45] : memref<1x128x128xf32, #tpu.memory_space<vmem>> -> memref<1x128x128xf32, #tpu.memory_space<vmem>>
      %dma_wait3A_47 = tpu.memref_squeeze %dma_wait3A_46 : memref<1x128x128xf32, #tpu.memory_space<vmem>> -> memref<128x128xf32, #tpu.memory_space<vmem>>
      %dma_wait3A_48 = arith.constant 0 : i32
      %dma_wait3A_49 = tpu.memref_slice %arg6[%dma_wait3A, %dma_wait3A_48] : memref<1x128xi32, #tpu.memory_space<vmem>> -> memref<1x128xi32, #tpu.memory_space<vmem>>
      %dma_wait3A_50 = tpu.memref_squeeze %dma_wait3A_49 : memref<1x128xi32, #tpu.memory_space<vmem>> -> memref<128xi32, #tpu.memory_space<vmem>>
      %dma_wait3A_51 = arith.constant 0 : i32
      %dma_wait3A_52 = arith.constant 0 : i32
      %dma_wait3A_53 = tpu.memref_slice %arg4[%dma_wait3A_51, %dma_wait3A_52] : memref<10000x128xf32, #tpu.memory_space<hbm>> -> memref<10000x128xf32, #tpu.memory_space<hbm>>
      tpu.wait_indirect_dma semaphore(%arg11 : memref<!tpu.dma_semaphore, #tpu.memory_space<semaphore_mem>>) src(%dma_wait3A_53 : memref<10000x128xf32, #tpu.memory_space<hbm>>) dst(%dma_wait3A_47 : memref<128x128xf32, #tpu.memory_space<vmem>>)
      %run_scoped3A_54 = arith.constant 0 : i32
      %run_scoped3A_55 = arith.constant 0 : i32
      "tpu.region"() ({
        %run_scoped3A_56 = tpu.sem_alloc : memref<!tpu.dma_semaphore, #tpu.memory_space<semaphore_mem>>
        %dma_start3A_57 = arith.constant 0 : i32
        %dma_start3A_58 = arith.constant 0 : i32
        %dma_start3A_59 = tpu.memref_slice %arg8[%run_scoped3A_54, %dma_start3A_57, %dma_start3A_58] : memref<1x128x128xf32, #tpu.memory_space<vmem>> -> memref<1x128x128xf32, #tpu.memory_space<vmem>>
        %dma_start3A_60 = tpu.memref_squeeze %dma_start3A_59 : memref<1x128x128xf32, #tpu.memory_space<vmem>> -> memref<128x128xf32, #tpu.memory_space<vmem>>
        %dma_start3A_61 = arith.constant 0 : i32
        %dma_start3A_62 = tpu.memref_slice %arg7[%run_scoped3A_55, %dma_start3A_61] : memref<1x128xi32, #tpu.memory_space<vmem>> -> memref<1x128xi32, #tpu.memory_space<vmem>>
        %dma_start3A_63 = tpu.memref_squeeze %dma_start3A_62 : memref<1x128xi32, #tpu.memory_space<vmem>> -> memref<128xi32, #tpu.memory_space<vmem>>
        %dma_start3A_64 = arith.constant 0 : i32
        %dma_start3A_65 = arith.constant 0 : i32
        %dma_start3A_66 = tpu.memref_slice %arg10[%dma_start3A_64, %dma_start3A_65] : memref<10240x128xf32, #tpu.memory_space<vmem_shared>> -> memref<10240x128xf32, #tpu.memory_space<vmem_shared>>
        tpu.enqueue_indirect_dma source(%dma_start3A_60 : memref<128x128xf32, #tpu.memory_space<vmem>>) target(%dma_start3A_66 : memref<10240x128xf32, #tpu.memory_space<vmem_shared>>) offsets(%dma_start3A_63 : memref<128xi32, #tpu.memory_space<vmem>>) semaphore(%run_scoped3A_56 : memref<!tpu.dma_semaphore, #tpu.memory_space<semaphore_mem>>) {add = true}
        %dma_wait3A_67 = arith.constant 0 : i32
        %dma_wait3A_68 = arith.constant 0 : i32
        %dma_wait3A_69 = tpu.memref_slice %arg8[%run_scoped3A_54, %dma_wait3A_67, %dma_wait3A_68] : memref<1x128x128xf32, #tpu.memory_space<vmem>> -> memref<1x128x128xf32, #tpu.memory_space<vmem>>
        %dma_wait3A_70 = tpu.memref_squeeze %dma_wait3A_69 : memref<1x128x128xf32, #tpu.memory_space<vmem>> -> memref<128x128xf32, #tpu.memory_space<vmem>>
        %dma_wait3A_71 = arith.constant 0 : i32
        %dma_wait3A_72 = tpu.memref_slice %arg7[%run_scoped3A_55, %dma_wait3A_71] : memref<1x128xi32, #tpu.memory_space<vmem>> -> memref<1x128xi32, #tpu.memory_space<vmem>>
        %dma_wait3A_73 = tpu.memref_squeeze %dma_wait3A_72 : memref<1x128xi32, #tpu.memory_space<vmem>> -> memref<128xi32, #tpu.memory_space<vmem>>
        %dma_wait3A_74 = arith.constant 0 : i32
        %dma_wait3A_75 = arith.constant 0 : i32
        %dma_wait3A_76 = tpu.memref_slice %arg10[%dma_wait3A_74, %dma_wait3A_75] : memref<10240x128xf32, #tpu.memory_space<vmem_shared>> -> memref<10240x128xf32, #tpu.memory_space<vmem_shared>>
        tpu.wait_indirect_dma semaphore(%run_scoped3A_56 : memref<!tpu.dma_semaphore, #tpu.memory_space<semaphore_mem>>) src(%dma_wait3A_70 : memref<128x128xf32, #tpu.memory_space<vmem>>) dst(%dma_wait3A_76 : memref<10240x128xf32, #tpu.memory_space<vmem_shared>>)
        tpu.yield
      }) : () -> ()
    }
    %scan3A_17 = arith.constant 79 : i32
    %barrier3A_18 = arith.constant 0 : index
    tpu.barrier barrier_id(%barrier3A_18)
    %mul3A_19 = arith.constant 640 : i32
    %mul3A_20 = arith.muli %arg1, %mul3A_19 : i32
    %mul3A_21 = arith.constant 640 : i32
    %mul3A_22 = arith.muli %arg1, %mul3A_21 : i32
    "tpu.region"() ({
      %run_scoped3A = tpu.sem_alloc : memref<!tpu.dma_semaphore, #tpu.memory_space<semaphore_mem>>
      %dma_start3A = arith.constant 0 : i32
      %dma_start3A_23 = tpu.memref_slice %arg5[%arg0, %mul3A_22, %dma_start3A] : memref<2x10240x128xf32, #tpu.memory_space<hbm>> -> memref<1x640x128xf32, #tpu.memory_space<hbm>>
      %dma_start3A_24 = tpu.memref_squeeze %dma_start3A_23 : memref<1x640x128xf32, #tpu.memory_space<hbm>> -> memref<640x128xf32, #tpu.memory_space<hbm>>
      %dma_start3A_25 = arith.constant 0 : i32
      %dma_start3A_26 = tpu.memref_slice %arg10[%mul3A_20, %dma_start3A_25] : memref<10240x128xf32, #tpu.memory_space<vmem_shared>> -> memref<640x128xf32, #tpu.memory_space<vmem_shared>>
      tpu.enqueue_dma source(%dma_start3A_26 : memref<640x128xf32, #tpu.memory_space<vmem_shared>>) target(%dma_start3A_24 : memref<640x128xf32, #tpu.memory_space<hbm>>) target_semaphore(%run_scoped3A : memref<!tpu.dma_semaphore, #tpu.memory_space<semaphore_mem>>)
      %dma_wait3A = arith.constant 0 : i32
      %dma_wait3A_27 = tpu.memref_slice %arg5[%arg0, %mul3A_22, %dma_wait3A] : memref<2x10240x128xf32, #tpu.memory_space<hbm>> -> memref<1x640x128xf32, #tpu.memory_space<hbm>>
      %dma_wait3A_28 = tpu.memref_squeeze %dma_wait3A_27 : memref<1x640x128xf32, #tpu.memory_space<hbm>> -> memref<640x128xf32, #tpu.memory_space<hbm>>
      %dma_wait3A_29 = arith.constant 0 : i32
      %dma_wait3A_30 = tpu.memref_slice %arg10[%mul3A_20, %dma_wait3A_29] : memref<10240x128xf32, #tpu.memory_space<vmem_shared>> -> memref<640x128xf32, #tpu.memory_space<vmem_shared>>
      tpu.wait_dma2 semaphore(%run_scoped3A : memref<!tpu.dma_semaphore, #tpu.memory_space<semaphore_mem>>) src(%dma_wait3A_30 : memref<640x128xf32, #tpu.memory_space<vmem_shared>>) dst(%dma_wait3A_28 : memref<640x128xf32, #tpu.memory_space<hbm>>)
      tpu.yield
    }) : () -> ()
    return
  }
}

#map = affine_map<(d0, d1) -> (0)>
#map1 = affine_map<(d0, d1) -> (0, 0)>
#map2 = affine_map<(d0, d1) -> (0, 0, 0)>
module attributes {stable_mosaic.version = 14 : i64} {
  func.func @sc_aggregate(%arg0: i32, %arg1: i32, %arg2: memref<323584xi32, #tpu.memory_space<hbm>>, %arg3: memref<323584xi32, #tpu.memory_space<hbm>>, %arg4: memref<10000x128xf32, #tpu.memory_space<hbm>>, %arg5: memref<2x10240x128xf32, #tpu.memory_space<hbm>>, %arg6: memref<1x128xi32, #tpu.memory_space<vmem>>, %arg7: memref<1x128xi32, #tpu.memory_space<vmem>>, %arg8: memref<1x128x128xf32, #tpu.memory_space<vmem>>, %arg9: memref<128x128xf32, #tpu.memory_space<vmem>>, %arg10: memref<10240x128xf32, #tpu.memory_space<vmem_shared>>, %arg11: memref<!tpu.dma_semaphore, #tpu.memory_space<semaphore_mem>>) attributes {dimension_semantics = [#tpu.dimension_semantics<core_parallel>, #tpu.dimension_semantics<subcore_parallel>], iteration_bounds = array<i64: 2, 16>, scalar_prefetch = 0 : i64, scratch_operands = 6 : i64, tpu.core_type = #tpu.core_type<sc_vector_subcore>, window_params = [{transform_indices = #map}, {transform_indices = #map}, {transform_indices = #map1}, {transform_indices = #map2}]} {
    %mul3A = arith.constant 16 : i32
    %mul3A_0 = arith.muli %arg0, %mul3A : i32
    %add3A = arith.addi %mul3A_0, %arg1 : i32
    %broadcast_in_dim3A = arith.constant 0.000000e+00 : f32
    %broadcast_in_dim3A_1 = vector.broadcast %broadcast_in_dim3A : f32 to vector<16xf32>
    %scan3A = arith.constant 0 : i32
    %scan3A_2 = arith.constant 128 : i32
    %scan3A_3 = arith.addi %scan3A, %scan3A_2 : i32
    %scan3A_4 = arith.constant 1 : i32
    scf.for %scan3A_23 = %scan3A to %scan3A_3 step %scan3A_4  : i32 {
      %mul3A_24 = arith.constant 1 : i32
      %mul3A_25 = arith.muli %scan3A_23, %mul3A_24 : i32
      %add3A_26 = arith.constant 0 : i32
      %add3A_27 = arith.addi %add3A_26, %mul3A_25 : i32
      %swap3A = arith.index_cast %add3A_27 : i32 to index
      %swap3A_28 = arith.constant 0 : index
      %swap3A_29 = tpu.vector_load %arg9[%swap3A, %swap3A_28] {strides = array<i32>} : memref<128x128xf32, #tpu.memory_space<vmem>>, vector<1x16xf32>,
      %swap3A_30 = vector.shape_cast %swap3A_29 : vector<1x16xf32> to vector<16xf32>
      %swap3A_31 = vector.shape_cast %broadcast_in_dim3A_1 : vector<16xf32> to vector<1x16xf32>
      tpu.vector_store %arg9[%swap3A, %swap3A_28], %swap3A_31 {strides = array<i32>} : memref<128x128xf32, #tpu.memory_space<vmem>>, vector<1x16xf32>,
      %swap3A_32 = arith.index_cast %add3A_27 : i32 to index
      %swap3A_33 = arith.constant 16 : index
      %swap3A_34 = tpu.vector_load %arg9[%swap3A_32, %swap3A_33] {strides = array<i32>} : memref<128x128xf32, #tpu.memory_space<vmem>>, vector<1x16xf32>,
      %swap3A_35 = vector.shape_cast %swap3A_34 : vector<1x16xf32> to vector<16xf32>
      %swap3A_36 = vector.shape_cast %broadcast_in_dim3A_1 : vector<16xf32> to vector<1x16xf32>
      tpu.vector_store %arg9[%swap3A_32, %swap3A_33], %swap3A_36 {strides = array<i32>} : memref<128x128xf32, #tpu.memory_space<vmem>>, vector<1x16xf32>,
      %swap3A_37 = arith.index_cast %add3A_27 : i32 to index
      %swap3A_38 = arith.constant 32 : index
      %swap3A_39 = tpu.vector_load %arg9[%swap3A_37, %swap3A_38] {strides = array<i32>} : memref<128x128xf32, #tpu.memory_space<vmem>>, vector<1x16xf32>,
      %swap3A_40 = vector.shape_cast %swap3A_39 : vector<1x16xf32> to vector<16xf32>
      %swap3A_41 = vector.shape_cast %broadcast_in_dim3A_1 : vector<16xf32> to vector<1x16xf32>
      tpu.vector_store %arg9[%swap3A_37, %swap3A_38], %swap3A_41 {strides = array<i32>} : memref<128x128xf32, #tpu.memory_space<vmem>>, vector<1x16xf32>,
      %swap3A_42 = arith.index_cast %add3A_27 : i32 to index
      %swap3A_43 = arith.constant 48 : index
      %swap3A_44 = tpu.vector_load %arg9[%swap3A_42, %swap3A_43] {strides = array<i32>} : memref<128x128xf32, #tpu.memory_space<vmem>>, vector<1x16xf32>,
      %swap3A_45 = vector.shape_cast %swap3A_44 : vector<1x16xf32> to vector<16xf32>
      %swap3A_46 = vector.shape_cast %broadcast_in_dim3A_1 : vector<16xf32> to vector<1x16xf32>
      tpu.vector_store %arg9[%swap3A_42, %swap3A_43], %swap3A_46 {strides = array<i32>} : memref<128x128xf32, #tpu.memory_space<vmem>>, vector<1x16xf32>,
      %swap3A_47 = arith.index_cast %add3A_27 : i32 to index
      %swap3A_48 = arith.constant 64 : index
      %swap3A_49 = tpu.vector_load %arg9[%swap3A_47, %swap3A_48] {strides = array<i32>} : memref<128x128xf32, #tpu.memory_space<vmem>>, vector<1x16xf32>,
      %swap3A_50 = vector.shape_cast %swap3A_49 : vector<1x16xf32> to vector<16xf32>
      %swap3A_51 = vector.shape_cast %broadcast_in_dim3A_1 : vector<16xf32> to vector<1x16xf32>
      tpu.vector_store %arg9[%swap3A_47, %swap3A_48], %swap3A_51 {strides = array<i32>} : memref<128x128xf32, #tpu.memory_space<vmem>>, vector<1x16xf32>,
      %swap3A_52 = arith.index_cast %add3A_27 : i32 to index
      %swap3A_53 = arith.constant 80 : index
      %swap3A_54 = tpu.vector_load %arg9[%swap3A_52, %swap3A_53] {strides = array<i32>} : memref<128x128xf32, #tpu.memory_space<vmem>>, vector<1x16xf32>,
      %swap3A_55 = vector.shape_cast %swap3A_54 : vector<1x16xf32> to vector<16xf32>
      %swap3A_56 = vector.shape_cast %broadcast_in_dim3A_1 : vector<16xf32> to vector<1x16xf32>
      tpu.vector_store %arg9[%swap3A_52, %swap3A_53], %swap3A_56 {strides = array<i32>} : memref<128x128xf32, #tpu.memory_space<vmem>>, vector<1x16xf32>,
      %swap3A_57 = arith.index_cast %add3A_27 : i32 to index
      %swap3A_58 = arith.constant 96 : index
      %swap3A_59 = tpu.vector_load %arg9[%swap3A_57, %swap3A_58] {strides = array<i32>} : memref<128x128xf32, #tpu.memory_space<vmem>>, vector<1x16xf32>,
      %swap3A_60 = vector.shape_cast %swap3A_59 : vector<1x16xf32> to vector<16xf32>
      %swap3A_61 = vector.shape_cast %broadcast_in_dim3A_1 : vector<16xf32> to vector<1x16xf32>
      tpu.vector_store %arg9[%swap3A_57, %swap3A_58], %swap3A_61 {strides = array<i32>} : memref<128x128xf32, #tpu.memory_space<vmem>>, vector<1x16xf32>,
      %swap3A_62 = arith.index_cast %add3A_27 : i32 to index
      %swap3A_63 = arith.constant 112 : index
      %swap3A_64 = tpu.vector_load %arg9[%swap3A_62, %swap3A_63] {strides = array<i32>} : memref<128x128xf32, #tpu.memory_space<vmem>>, vector<1x16xf32>,
      %swap3A_65 = vector.shape_cast %swap3A_64 : vector<1x16xf32> to vector<16xf32>
      %swap3A_66 = vector.shape_cast %broadcast_in_dim3A_1 : vector<16xf32> to vector<1x16xf32>
      tpu.vector_store %arg9[%swap3A_62, %swap3A_63], %swap3A_66 {strides = array<i32>} : memref<128x128xf32, #tpu.memory_space<vmem>>, vector<1x16xf32>,
    }
    %scan3A_5 = arith.constant 128 : i32
    %scan3A_6 = arith.constant 0 : i32
    %scan3A_7 = arith.constant 5 : i32
    %scan3A_8 = arith.addi %scan3A_6, %scan3A_7 : i32
    %scan3A_9 = arith.constant 1 : i32
    scf.for %scan3A_23 = %scan3A_6 to %scan3A_8 step %scan3A_9  : i32 {
      %mul3A_24 = arith.constant 1 : i32
      %mul3A_25 = arith.muli %scan3A_23, %mul3A_24 : i32
      %add3A_26 = arith.constant 0 : i32
      %add3A_27 = arith.addi %add3A_26, %mul3A_25 : i32
      %mul3A_28 = arith.constant 640 : i32
      %mul3A_29 = arith.muli %arg1, %mul3A_28 : i32
      %mul3A_30 = arith.constant 128 : i32
      %mul3A_31 = arith.muli %add3A_27, %mul3A_30 : i32
      %add3A_32 = arith.addi %mul3A_29, %mul3A_31 : i32
      "tpu.region"() ({
        %run_scoped3A = tpu.sem_alloc : memref<!tpu.dma_semaphore, #tpu.memory_space<semaphore_mem>>
        %dma_start3A = arith.constant 0 : i32
        %dma_start3A_33 = tpu.memref_slice %arg10[%add3A_32, %dma_start3A] : memref<10240x128xf32, #tpu.memory_space<vmem_shared>> -> memref<128x128xf32, #tpu.memory_space<vmem_shared>>
        %dma_start3A_34 = arith.constant 0 : i32
        %dma_start3A_35 = tpu.memref_slice %arg10[%add3A_32, %dma_start3A_34] : memref<10240x128xf32, #tpu.memory_space<vmem_shared>> -> memref<128x128xf32, #tpu.memory_space<vmem_shared>>
        tpu.enqueue_dma source(%arg9 : memref<128x128xf32, #tpu.memory_space<vmem>>) target(%dma_start3A_35 : memref<128x128xf32, #tpu.memory_space<vmem_shared>>) target_semaphore(%run_scoped3A : memref<!tpu.dma_semaphore, #tpu.memory_space<semaphore_mem>>)
        %dma_wait3A = arith.constant 0 : i32
        %dma_wait3A_36 = tpu.memref_slice %arg10[%add3A_32, %dma_wait3A] : memref<10240x128xf32, #tpu.memory_space<vmem_shared>> -> memref<128x128xf32, #tpu.memory_space<vmem_shared>>
        %dma_wait3A_37 = arith.constant 0 : i32
        %dma_wait3A_38 = tpu.memref_slice %arg10[%add3A_32, %dma_wait3A_37] : memref<10240x128xf32, #tpu.memory_space<vmem_shared>> -> memref<128x128xf32, #tpu.memory_space<vmem_shared>>
        tpu.wait_dma2 semaphore(%run_scoped3A : memref<!tpu.dma_semaphore, #tpu.memory_space<semaphore_mem>>) src(%arg9 : memref<128x128xf32, #tpu.memory_space<vmem>>) dst(%dma_wait3A_38 : memref<128x128xf32, #tpu.memory_space<vmem_shared>>)
        tpu.yield
      }) : () -> ()
    }
    %scan3A_10 = arith.constant 5 : i32
    %barrier3A = arith.constant 0 : index
    tpu.barrier barrier_id(%barrier3A)
    %mul3A_11 = arith.constant 10112 : i32
    %mul3A_12 = arith.muli %add3A, %mul3A_11 : i32
    %scan3A_13 = arith.constant 0 : i32
    %scan3A_14 = arith.constant 79 : i32
    %scan3A_15 = arith.addi %scan3A_13, %scan3A_14 : i32
    %scan3A_16 = arith.constant 1 : i32
    scf.for %scan3A_23 = %scan3A_13 to %scan3A_15 step %scan3A_16  : i32 {
      %mul3A_24 = arith.constant 1 : i32
      %mul3A_25 = arith.muli %scan3A_23, %mul3A_24 : i32
      %add3A_26 = arith.constant 0 : i32
      %add3A_27 = arith.addi %add3A_26, %mul3A_25 : i32
      %mul3A_28 = arith.constant 128 : i32
      %mul3A_29 = arith.muli %add3A_27, %mul3A_28 : i32
      %add3A_30 = arith.addi %mul3A_12, %mul3A_29 : i32
      %run_scoped3A = arith.constant 0 : i32
      "tpu.region"() ({
        %run_scoped3A_56 = tpu.sem_alloc : memref<!tpu.dma_semaphore, #tpu.memory_space<semaphore_mem>>
        %dma_start3A_57 = arith.constant 0 : i32
        %dma_start3A_58 = tpu.memref_slice %arg6[%run_scoped3A, %dma_start3A_57] : memref<1x128xi32, #tpu.memory_space<vmem>> -> memref<1x128xi32, #tpu.memory_space<vmem>>
        %dma_start3A_59 = tpu.memref_squeeze %dma_start3A_58 : memref<1x128xi32, #tpu.memory_space<vmem>> -> memref<128xi32, #tpu.memory_space<vmem>>
        %dma_start3A_60 = tpu.memref_slice %arg2[%add3A_30] : memref<323584xi32, #tpu.memory_space<hbm>> -> memref<128xi32, #tpu.memory_space<hbm>>
        %dma_start3A_61 = arith.constant 0 : i32
        %dma_start3A_62 = tpu.memref_slice %arg6[%run_scoped3A, %dma_start3A_61] : memref<1x128xi32, #tpu.memory_space<vmem>> -> memref<1x128xi32, #tpu.memory_space<vmem>>
        %dma_start3A_63 = tpu.memref_squeeze %dma_start3A_62 : memref<1x128xi32, #tpu.memory_space<vmem>> -> memref<128xi32, #tpu.memory_space<vmem>>
        %dma_start3A_64 = tpu.memref_slice %arg2[%add3A_30] : memref<323584xi32, #tpu.memory_space<hbm>> -> memref<128xi32, #tpu.memory_space<hbm>>
        tpu.enqueue_dma source(%dma_start3A_64 : memref<128xi32, #tpu.memory_space<hbm>>) target(%dma_start3A_63 : memref<128xi32, #tpu.memory_space<vmem>>) target_semaphore(%run_scoped3A_56 : memref<!tpu.dma_semaphore, #tpu.memory_space<semaphore_mem>>)
        %dma_wait3A_65 = arith.constant 0 : i32
        %dma_wait3A_66 = tpu.memref_slice %arg6[%run_scoped3A, %dma_wait3A_65] : memref<1x128xi32, #tpu.memory_space<vmem>> -> memref<1x128xi32, #tpu.memory_space<vmem>>
        %dma_wait3A_67 = tpu.memref_squeeze %dma_wait3A_66 : memref<1x128xi32, #tpu.memory_space<vmem>> -> memref<128xi32, #tpu.memory_space<vmem>>
        %dma_wait3A_68 = tpu.memref_slice %arg2[%add3A_30] : memref<323584xi32, #tpu.memory_space<hbm>> -> memref<128xi32, #tpu.memory_space<hbm>>
        %dma_wait3A_69 = arith.constant 0 : i32
        %dma_wait3A_70 = tpu.memref_slice %arg6[%run_scoped3A, %dma_wait3A_69] : memref<1x128xi32, #tpu.memory_space<vmem>> -> memref<1x128xi32, #tpu.memory_space<vmem>>
        %dma_wait3A_71 = tpu.memref_squeeze %dma_wait3A_70 : memref<1x128xi32, #tpu.memory_space<vmem>> -> memref<128xi32, #tpu.memory_space<vmem>>
        %dma_wait3A_72 = tpu.memref_slice %arg2[%add3A_30] : memref<323584xi32, #tpu.memory_space<hbm>> -> memref<128xi32, #tpu.memory_space<hbm>>
        tpu.wait_dma2 semaphore(%run_scoped3A_56 : memref<!tpu.dma_semaphore, #tpu.memory_space<semaphore_mem>>) src(%dma_wait3A_72 : memref<128xi32, #tpu.memory_space<hbm>>) dst(%dma_wait3A_71 : memref<128xi32, #tpu.memory_space<vmem>>)
        tpu.yield
      }) : () -> ()
      %run_scoped3A_31 = arith.constant 0 : i32
      "tpu.region"() ({
        %run_scoped3A_56 = tpu.sem_alloc : memref<!tpu.dma_semaphore, #tpu.memory_space<semaphore_mem>>
        %dma_start3A_57 = arith.constant 0 : i32
        %dma_start3A_58 = tpu.memref_slice %arg7[%run_scoped3A_31, %dma_start3A_57] : memref<1x128xi32, #tpu.memory_space<vmem>> -> memref<1x128xi32, #tpu.memory_space<vmem>>
        %dma_start3A_59 = tpu.memref_squeeze %dma_start3A_58 : memref<1x128xi32, #tpu.memory_space<vmem>> -> memref<128xi32, #tpu.memory_space<vmem>>
        %dma_start3A_60 = tpu.memref_slice %arg3[%add3A_30] : memref<323584xi32, #tpu.memory_space<hbm>> -> memref<128xi32, #tpu.memory_space<hbm>>
        %dma_start3A_61 = arith.constant 0 : i32
        %dma_start3A_62 = tpu.memref_slice %arg7[%run_scoped3A_31, %dma_start3A_61] : memref<1x128xi32, #tpu.memory_space<vmem>> -> memref<1x128xi32, #tpu.memory_space<vmem>>
        %dma_start3A_63 = tpu.memref_squeeze %dma_start3A_62 : memref<1x128xi32, #tpu.memory_space<vmem>> -> memref<128xi32, #tpu.memory_space<vmem>>
        %dma_start3A_64 = tpu.memref_slice %arg3[%add3A_30] : memref<323584xi32, #tpu.memory_space<hbm>> -> memref<128xi32, #tpu.memory_space<hbm>>
        tpu.enqueue_dma source(%dma_start3A_64 : memref<128xi32, #tpu.memory_space<hbm>>) target(%dma_start3A_63 : memref<128xi32, #tpu.memory_space<vmem>>) target_semaphore(%run_scoped3A_56 : memref<!tpu.dma_semaphore, #tpu.memory_space<semaphore_mem>>)
        %dma_wait3A_65 = arith.constant 0 : i32
        %dma_wait3A_66 = tpu.memref_slice %arg7[%run_scoped3A_31, %dma_wait3A_65] : memref<1x128xi32, #tpu.memory_space<vmem>> -> memref<1x128xi32, #tpu.memory_space<vmem>>
        %dma_wait3A_67 = tpu.memref_squeeze %dma_wait3A_66 : memref<1x128xi32, #tpu.memory_space<vmem>> -> memref<128xi32, #tpu.memory_space<vmem>>
        %dma_wait3A_68 = tpu.memref_slice %arg3[%add3A_30] : memref<323584xi32, #tpu.memory_space<hbm>> -> memref<128xi32, #tpu.memory_space<hbm>>
        %dma_wait3A_69 = arith.constant 0 : i32
        %dma_wait3A_70 = tpu.memref_slice %arg7[%run_scoped3A_31, %dma_wait3A_69] : memref<1x128xi32, #tpu.memory_space<vmem>> -> memref<1x128xi32, #tpu.memory_space<vmem>>
        %dma_wait3A_71 = tpu.memref_squeeze %dma_wait3A_70 : memref<1x128xi32, #tpu.memory_space<vmem>> -> memref<128xi32, #tpu.memory_space<vmem>>
        %dma_wait3A_72 = tpu.memref_slice %arg3[%add3A_30] : memref<323584xi32, #tpu.memory_space<hbm>> -> memref<128xi32, #tpu.memory_space<hbm>>
        tpu.wait_dma2 semaphore(%run_scoped3A_56 : memref<!tpu.dma_semaphore, #tpu.memory_space<semaphore_mem>>) src(%dma_wait3A_72 : memref<128xi32, #tpu.memory_space<hbm>>) dst(%dma_wait3A_71 : memref<128xi32, #tpu.memory_space<vmem>>)
        tpu.yield
      }) : () -> ()
      %dma_start3A = arith.constant 0 : i32
      %dma_start3A_32 = arith.constant 0 : i32
      %dma_start3A_33 = arith.constant 0 : i32
      %dma_start3A_34 = arith.constant 0 : i32
      %dma_start3A_35 = tpu.memref_slice %arg8[%dma_start3A_32, %dma_start3A_33, %dma_start3A_34] : memref<1x128x128xf32, #tpu.memory_space<vmem>> -> memref<1x128x128xf32, #tpu.memory_space<vmem>>
      %dma_start3A_36 = tpu.memref_squeeze %dma_start3A_35 : memref<1x128x128xf32, #tpu.memory_space<vmem>> -> memref<128x128xf32, #tpu.memory_space<vmem>>
      %dma_start3A_37 = arith.constant 0 : i32
      %dma_start3A_38 = tpu.memref_slice %arg6[%dma_start3A, %dma_start3A_37] : memref<1x128xi32, #tpu.memory_space<vmem>> -> memref<1x128xi32, #tpu.memory_space<vmem>>
      %dma_start3A_39 = tpu.memref_squeeze %dma_start3A_38 : memref<1x128xi32, #tpu.memory_space<vmem>> -> memref<128xi32, #tpu.memory_space<vmem>>
      %dma_start3A_40 = arith.constant 0 : i32
      %dma_start3A_41 = arith.constant 0 : i32
      %dma_start3A_42 = tpu.memref_slice %arg4[%dma_start3A_40, %dma_start3A_41] : memref<10000x128xf32, #tpu.memory_space<hbm>> -> memref<10000x128xf32, #tpu.memory_space<hbm>>
      tpu.enqueue_indirect_dma source(%dma_start3A_42 : memref<10000x128xf32, #tpu.memory_space<hbm>>) target(%dma_start3A_36 : memref<128x128xf32, #tpu.memory_space<vmem>>) offsets(%dma_start3A_39 : memref<128xi32, #tpu.memory_space<vmem>>) semaphore(%arg11 : memref<!tpu.dma_semaphore, #tpu.memory_space<semaphore_mem>>)
      %dma_wait3A = arith.constant 0 : i32
      %dma_wait3A_43 = arith.constant 0 : i32
      %dma_wait3A_44 = arith.constant 0 : i32
      %dma_wait3A_45 = arith.constant 0 : i32
      %dma_wait3A_46 = tpu.memref_slice %arg8[%dma_wait3A_43, %dma_wait3A_44, %dma_wait3A_45] : memref<1x128x128xf32, #tpu.memory_space<vmem>> -> memref<1x128x128xf32, #tpu.memory_space<vmem>>
      %dma_wait3A_47 = tpu.memref_squeeze %dma_wait3A_46 : memref<1x128x128xf32, #tpu.memory_space<vmem>> -> memref<128x128xf32, #tpu.memory_space<vmem>>
      %dma_wait3A_48 = arith.constant 0 : i32
      %dma_wait3A_49 = tpu.memref_slice %arg6[%dma_wait3A, %dma_wait3A_48] : memref<1x128xi32, #tpu.memory_space<vmem>> -> memref<1x128xi32, #tpu.memory_space<vmem>>
      %dma_wait3A_50 = tpu.memref_squeeze %dma_wait3A_49 : memref<1x128xi32, #tpu.memory_space<vmem>> -> memref<128xi32, #tpu.memory_space<vmem>>
      %dma_wait3A_51 = arith.constant 0 : i32
      %dma_wait3A_52 = arith.constant 0 : i32
      %dma_wait3A_53 = tpu.memref_slice %arg4[%dma_wait3A_51, %dma_wait3A_52] : memref<10000x128xf32, #tpu.memory_space<hbm>> -> memref<10000x128xf32, #tpu.memory_space<hbm>>
      tpu.wait_indirect_dma semaphore(%arg11 : memref<!tpu.dma_semaphore, #tpu.memory_space<semaphore_mem>>) src(%dma_wait3A_53 : memref<10000x128xf32, #tpu.memory_space<hbm>>) dst(%dma_wait3A_47 : memref<128x128xf32, #tpu.memory_space<vmem>>)
      %run_scoped3A_54 = arith.constant 0 : i32
      %run_scoped3A_55 = arith.constant 0 : i32
      "tpu.region"() ({
        %run_scoped3A_56 = tpu.sem_alloc : memref<!tpu.dma_semaphore, #tpu.memory_space<semaphore_mem>>
        %dma_start3A_57 = arith.constant 0 : i32
        %dma_start3A_58 = arith.constant 0 : i32
        %dma_start3A_59 = tpu.memref_slice %arg8[%run_scoped3A_54, %dma_start3A_57, %dma_start3A_58] : memref<1x128x128xf32, #tpu.memory_space<vmem>> -> memref<1x128x128xf32, #tpu.memory_space<vmem>>
        %dma_start3A_60 = tpu.memref_squeeze %dma_start3A_59 : memref<1x128x128xf32, #tpu.memory_space<vmem>> -> memref<128x128xf32, #tpu.memory_space<vmem>>
        %dma_start3A_61 = arith.constant 0 : i32
        %dma_start3A_62 = tpu.memref_slice %arg7[%run_scoped3A_55, %dma_start3A_61] : memref<1x128xi32, #tpu.memory_space<vmem>> -> memref<1x128xi32, #tpu.memory_space<vmem>>
        %dma_start3A_63 = tpu.memref_squeeze %dma_start3A_62 : memref<1x128xi32, #tpu.memory_space<vmem>> -> memref<128xi32, #tpu.memory_space<vmem>>
        %dma_start3A_64 = arith.constant 0 : i32
        %dma_start3A_65 = arith.constant 0 : i32
        %dma_start3A_66 = tpu.memref_slice %arg10[%dma_start3A_64, %dma_start3A_65] : memref<10240x128xf32, #tpu.memory_space<vmem_shared>> -> memref<10240x128xf32, #tpu.memory_space<vmem_shared>>
        tpu.enqueue_indirect_dma source(%dma_start3A_60 : memref<128x128xf32, #tpu.memory_space<vmem>>) target(%dma_start3A_66 : memref<10240x128xf32, #tpu.memory_space<vmem_shared>>) offsets(%dma_start3A_63 : memref<128xi32, #tpu.memory_space<vmem>>) semaphore(%run_scoped3A_56 : memref<!tpu.dma_semaphore, #tpu.memory_space<semaphore_mem>>) {add = true}
        %dma_wait3A_67 = arith.constant 0 : i32
        %dma_wait3A_68 = arith.constant 0 : i32
        %dma_wait3A_69 = tpu.memref_slice %arg8[%run_scoped3A_54, %dma_wait3A_67, %dma_wait3A_68] : memref<1x128x128xf32, #tpu.memory_space<vmem>> -> memref<1x128x128xf32, #tpu.memory_space<vmem>>
        %dma_wait3A_70 = tpu.memref_squeeze %dma_wait3A_69 : memref<1x128x128xf32, #tpu.memory_space<vmem>> -> memref<128x128xf32, #tpu.memory_space<vmem>>
        %dma_wait3A_71 = arith.constant 0 : i32
        %dma_wait3A_72 = tpu.memref_slice %arg7[%run_scoped3A_55, %dma_wait3A_71] : memref<1x128xi32, #tpu.memory_space<vmem>> -> memref<1x128xi32, #tpu.memory_space<vmem>>
        %dma_wait3A_73 = tpu.memref_squeeze %dma_wait3A_72 : memref<1x128xi32, #tpu.memory_space<vmem>> -> memref<128xi32, #tpu.memory_space<vmem>>
        %dma_wait3A_74 = arith.constant 0 : i32
        %dma_wait3A_75 = arith.constant 0 : i32
        %dma_wait3A_76 = tpu.memref_slice %arg10[%dma_wait3A_74, %dma_wait3A_75] : memref<10240x128xf32, #tpu.memory_space<vmem_shared>> -> memref<10240x128xf32, #tpu.memory_space<vmem_shared>>
        tpu.wait_indirect_dma semaphore(%run_scoped3A_56 : memref<!tpu.dma_semaphore, #tpu.memory_space<semaphore_mem>>) src(%dma_wait3A_70 : memref<128x128xf32, #tpu.memory_space<vmem>>) dst(%dma_wait3A_76 : memref<10240x128xf32, #tpu.memory_space<vmem_shared>>)
        tpu.yield
      }) : () -> ()
    }
    %scan3A_17 = arith.constant 79 : i32
    %barrier3A_18 = arith.constant 0 : index
    tpu.barrier barrier_id(%barrier3A_18)
    %mul3A_19 = arith.constant 640 : i32
    %mul3A_20 = arith.muli %arg1, %mul3A_19 : i32
    %mul3A_21 = arith.constant 640 : i32
    %mul3A_22 = arith.muli %arg1, %mul3A_21 : i32
    "tpu.region"() ({
      %run_scoped3A = tpu.sem_alloc : memref<!tpu.dma_semaphore, #tpu.memory_space<semaphore_mem>>
      %dma_start3A = arith.constant 0 : i32
      %dma_start3A_23 = tpu.memref_slice %arg5[%arg0, %mul3A_22, %dma_start3A] : memref<2x10240x128xf32, #tpu.memory_space<hbm>> -> memref<1x640x128xf32, #tpu.memory_space<hbm>>
      %dma_start3A_24 = tpu.memref_squeeze %dma_start3A_23 : memref<1x640x128xf32, #tpu.memory_space<hbm>> -> memref<640x128xf32, #tpu.memory_space<hbm>>
      %dma_start3A_25 = arith.constant 0 : i32
      %dma_start3A_26 = tpu.memref_slice %arg10[%mul3A_20, %dma_start3A_25] : memref<10240x128xf32, #tpu.memory_space<vmem_shared>> -> memref<640x128xf32, #tpu.memory_space<vmem_shared>>
      tpu.enqueue_dma source(%dma_start3A_26 : memref<640x128xf32, #tpu.memory_space<vmem_shared>>) target(%dma_start3A_24 : memref<640x128xf32, #tpu.memory_space<hbm>>) target_semaphore(%run_scoped3A : memref<!tpu.dma_semaphore, #tpu.memory_space<semaphore_mem>>)
      %dma_wait3A = arith.constant 0 : i32
      %dma_wait3A_27 = tpu.memref_slice %arg5[%arg0, %mul3A_22, %dma_wait3A] : memref<2x10240x128xf32, #tpu.memory_space<hbm>> -> memref<1x640x128xf32, #tpu.memory_space<hbm>>
      %dma_wait3A_28 = tpu.memref_squeeze %dma_wait3A_27 : memref<1x640x128xf32, #tpu.memory_space<hbm>> -> memref<640x128xf32, #tpu.memory_space<hbm>>
      %dma_wait3A_29 = arith.constant 0 : i32
      %dma_wait3A_30 = tpu.memref_slice %arg10[%mul3A_20, %dma_wait3A_29] : memref<10240x128xf32, #tpu.memory_space<vmem_shared>> -> memref<640x128xf32, #tpu.memory_space<vmem_shared>>
      tpu.wait_dma2 semaphore(%run_scoped3A : memref<!tpu.dma_semaphore, #tpu.memory_space<semaphore_mem>>) src(%dma_wait3A_30 : memref<640x128xf32, #tpu.memory_space<vmem_shared>>) dst(%dma_wait3A_28 : memref<640x128xf32, #tpu.memory_space<hbm>>)
      tpu.yield
    }) : () -> ()
    return
  }
}

module attributes {stable_mosaic.version = 14 : i64} {
  func.func @_layer_body(%arg0: i32, %arg1: memref<2x1000x128xf32, #tpu.memory_space<vmem>>, %arg2: memref<1000x128xf32, #tpu.memory_space<vmem>>, %arg3: memref<128x128xf32, #tpu.memory_space<vmem>>, %arg4: memref<1x128xf32, #tpu.memory_space<vmem>>, %arg5: memref<128x128xf32, #tpu.memory_space<vmem>>, %arg6: memref<1000x128xf32, #tpu.memory_space<vmem>>) attributes {dimension_semantics = [#tpu.dimension_semantics<arbitrary>], iteration_bounds = array<i64: 10>, scalar_prefetch = 0 : i64, scratch_operands = 0 : i64, tpu.core_type = #tpu.core_type<tc>, window_params = [{transform_indices = @transform_0, window_bounds = array<i64: 2, 1000, 128>}, {transform_indices = @transform_1, window_bounds = array<i64: 1000, 128>}, {pipeline_mode = #tpu.pipeline_mode<synchronous>, transform_indices = @transform_2, window_bounds = array<i64: 128, 128>}, {pipeline_mode = #tpu.pipeline_mode<synchronous>, transform_indices = @transform_3, window_bounds = array<i64: 1, 128>}, {pipeline_mode = #tpu.pipeline_mode<synchronous>, transform_indices = @transform_4, window_bounds = array<i64: 128, 128>}, {transform_indices = @transform_5, window_bounds = array<i64: 1000, 128>}]} {
    %get3A = arith.constant 0 : index
    %get3A_0 = arith.constant 0 : index
    %get3A_1 = arith.constant 0 : index
    %get3A_2 = vector.load %arg1[%get3A, %get3A_0, %get3A_1] : memref<2x1000x128xf32, #tpu.memory_space<vmem>>, vector<1x1000x128xf32>
    %get3A_3 = vector.shape_cast %get3A_2 : vector<1x1000x128xf32> to vector<1000x128xf32>
    %get3A_4 = arith.constant 1 : index
    %get3A_5 = arith.constant 0 : index
    %get3A_6 = arith.constant 0 : index
    %get3A_7 = vector.load %arg1[%get3A_4, %get3A_5, %get3A_6] : memref<2x1000x128xf32, #tpu.memory_space<vmem>>, vector<1x1000x128xf32>
    %get3A_8 = vector.shape_cast %get3A_7 : vector<1x1000x128xf32> to vector<1000x128xf32>
    %add3A = arith.addf %get3A_3, %get3A_8 : vector<1000x128xf32>
    %get3A_9 = arith.constant 0 : index
    %get3A_10 = arith.constant 0 : index
    %get3A_11 = vector.load %arg3[%get3A_9, %get3A_10] : memref<128x128xf32, #tpu.memory_space<vmem>>, vector<128x128xf32>
    %dot_general3A = arith.constant dense<0.000000e+00> : vector<1000x128xf32>
    %dot_general3A_12 = tpu.matmul %add3A, %get3A_11, %dot_general3A {dimension_numbers = #tpu.dot_dimension_numbers<[1], [0], [0], [1], [0, 0, 1, 1], [], []>, transpose_lhs_hint = false} : vector<1000x128xf32>, vector<128x128xf32>, vector<1000x128xf32> -> vector<1000x128xf32>
    %get3A_13 = arith.constant 0 : index
    %get3A_14 = arith.constant 0 : index
    %get3A_15 = vector.load %arg2[%get3A_13, %get3A_14] : memref<1000x128xf32, #tpu.memory_space<vmem>>, vector<1000x128xf32>
    %get3A_16 = arith.constant 0 : index
    %get3A_17 = arith.constant 0 : index
    %get3A_18 = vector.load %arg5[%get3A_16, %get3A_17] : memref<128x128xf32, #tpu.memory_space<vmem>>, vector<128x128xf32>
    %dot_general3A_19 = arith.constant dense<0.000000e+00> : vector<1000x128xf32>
    %dot_general3A_20 = tpu.matmul %get3A_15, %get3A_18, %dot_general3A_19 {dimension_numbers = #tpu.dot_dimension_numbers<[1], [0], [0], [1], [0, 0, 1, 1], [], []>, transpose_lhs_hint = false} : vector<1000x128xf32>, vector<128x128xf32>, vector<1000x128xf32> -> vector<1000x128xf32>
    %add3A_21 = arith.addf %dot_general3A_12, %dot_general3A_20 : vector<1000x128xf32>
    %get3A_22 = arith.constant 0 : index
    %get3A_23 = arith.constant 0 : index
    %get3A_24 = vector.load %arg4[%get3A_22, %get3A_23] : memref<1x128xf32, #tpu.memory_space<vmem>>, vector<1x128xf32>
    %add3A_25 = vector.broadcast %get3A_24 : vector<1x128xf32> to vector<1000x128xf32>
    %add3A_26 = arith.addf %add3A_21, %add3A_25 : vector<1000x128xf32>
    %max3A = arith.constant 0.000000e+00 : f32
    %max3A_27 = vector.broadcast %max3A : f32 to vector<1000x128xf32>
    %max3A_28 = arith.maximumf %add3A_26, %max3A_27 : vector<1000x128xf32>
    %swap3A = arith.constant 0 : index
    %swap3A_29 = arith.constant 0 : index
    %swap3A_30 = vector.load %arg6[%swap3A, %swap3A_29] : memref<1000x128xf32, #tpu.memory_space<vmem>>, vector<1000x128xf32>
    tpu.vector_store %arg6[%swap3A, %swap3A_29], %max3A_28 {strides = array<i32>} : memref<1000x128xf32, #tpu.memory_space<vmem>>, vector<1000x128xf32>,
    return
  }
  func.func @transform_0(%arg0: i32) -> (i32, i32, i32) {
    %c0_i32 = arith.constant 0 : i32
    %c0_i32_0 = arith.constant 0 : i32
    %c0_i32_1 = arith.constant 0 : i32
    return %c0_i32, %arg0, %c0_i32_0 : i32, i32, i32
  }
  func.func @transform_1(%arg0: i32) -> (i32, i32) {
    %c0_i32 = arith.constant 0 : i32
    %c0_i32_0 = arith.constant 0 : i32
    return %arg0, %c0_i32 : i32, i32
  }
  func.func @transform_2(%arg0: i32) -> (i32, i32) {
    %c0_i32 = arith.constant 0 : i32
    %c0_i32_0 = arith.constant 0 : i32
    %c0_i32_1 = arith.constant 0 : i32
    return %c0_i32, %c0_i32_0 : i32, i32
  }
  func.func @transform_3(%arg0: i32) -> (i32, i32) {
    %c0_i32 = arith.constant 0 : i32
    %c0_i32_0 = arith.constant 0 : i32
    %c0_i32_1 = arith.constant 0 : i32
    return %c0_i32, %c0_i32_0 : i32, i32
  }
  func.func @transform_4(%arg0: i32) -> (i32, i32) {
    %c0_i32 = arith.constant 0 : i32
    %c0_i32_0 = arith.constant 0 : i32
    %c0_i32_1 = arith.constant 0 : i32
    return %c0_i32, %c0_i32_0 : i32, i32
  }
  func.func @transform_5(%arg0: i32) -> (i32, i32) {
    %c0_i32 = arith.constant 0 : i32
    %c0_i32_0 = arith.constant 0 : i32
    return %arg0, %c0_i32 : i32, i32
  }
}

module attributes {stable_mosaic.version = 14 : i64} {
  func.func @_layer_body(%arg0: i32, %arg1: memref<2x1000x128xf32, #tpu.memory_space<vmem>>, %arg2: memref<1000x128xf32, #tpu.memory_space<vmem>>, %arg3: memref<128x128xf32, #tpu.memory_space<vmem>>, %arg4: memref<1x128xf32, #tpu.memory_space<vmem>>, %arg5: memref<128x128xf32, #tpu.memory_space<vmem>>, %arg6: memref<1000x128xf32, #tpu.memory_space<vmem>>) attributes {dimension_semantics = [#tpu.dimension_semantics<arbitrary>], iteration_bounds = array<i64: 10>, scalar_prefetch = 0 : i64, scratch_operands = 0 : i64, tpu.core_type = #tpu.core_type<tc>, window_params = [{transform_indices = @transform_0, window_bounds = array<i64: 2, 1000, 128>}, {transform_indices = @transform_1, window_bounds = array<i64: 1000, 128>}, {pipeline_mode = #tpu.pipeline_mode<synchronous>, transform_indices = @transform_2, window_bounds = array<i64: 128, 128>}, {pipeline_mode = #tpu.pipeline_mode<synchronous>, transform_indices = @transform_3, window_bounds = array<i64: 1, 128>}, {pipeline_mode = #tpu.pipeline_mode<synchronous>, transform_indices = @transform_4, window_bounds = array<i64: 128, 128>}, {transform_indices = @transform_5, window_bounds = array<i64: 1000, 128>}]} {
    %get3A = arith.constant 0 : index
    %get3A_0 = arith.constant 0 : index
    %get3A_1 = arith.constant 0 : index
    %get3A_2 = vector.load %arg1[%get3A, %get3A_0, %get3A_1] : memref<2x1000x128xf32, #tpu.memory_space<vmem>>, vector<1x1000x128xf32>
    %get3A_3 = vector.shape_cast %get3A_2 : vector<1x1000x128xf32> to vector<1000x128xf32>
    %get3A_4 = arith.constant 1 : index
    %get3A_5 = arith.constant 0 : index
    %get3A_6 = arith.constant 0 : index
    %get3A_7 = vector.load %arg1[%get3A_4, %get3A_5, %get3A_6] : memref<2x1000x128xf32, #tpu.memory_space<vmem>>, vector<1x1000x128xf32>
    %get3A_8 = vector.shape_cast %get3A_7 : vector<1x1000x128xf32> to vector<1000x128xf32>
    %add3A = arith.addf %get3A_3, %get3A_8 : vector<1000x128xf32>
    %get3A_9 = arith.constant 0 : index
    %get3A_10 = arith.constant 0 : index
    %get3A_11 = vector.load %arg3[%get3A_9, %get3A_10] : memref<128x128xf32, #tpu.memory_space<vmem>>, vector<128x128xf32>
    %dot_general3A = arith.constant dense<0.000000e+00> : vector<1000x128xf32>
    %dot_general3A_12 = tpu.matmul %add3A, %get3A_11, %dot_general3A {dimension_numbers = #tpu.dot_dimension_numbers<[1], [0], [0], [1], [0, 0, 1, 1], [], []>, transpose_lhs_hint = false} : vector<1000x128xf32>, vector<128x128xf32>, vector<1000x128xf32> -> vector<1000x128xf32>
    %get3A_13 = arith.constant 0 : index
    %get3A_14 = arith.constant 0 : index
    %get3A_15 = vector.load %arg2[%get3A_13, %get3A_14] : memref<1000x128xf32, #tpu.memory_space<vmem>>, vector<1000x128xf32>
    %get3A_16 = arith.constant 0 : index
    %get3A_17 = arith.constant 0 : index
    %get3A_18 = vector.load %arg5[%get3A_16, %get3A_17] : memref<128x128xf32, #tpu.memory_space<vmem>>, vector<128x128xf32>
    %dot_general3A_19 = arith.constant dense<0.000000e+00> : vector<1000x128xf32>
    %dot_general3A_20 = tpu.matmul %get3A_15, %get3A_18, %dot_general3A_19 {dimension_numbers = #tpu.dot_dimension_numbers<[1], [0], [0], [1], [0, 0, 1, 1], [], []>, transpose_lhs_hint = false} : vector<1000x128xf32>, vector<128x128xf32>, vector<1000x128xf32> -> vector<1000x128xf32>
    %add3A_21 = arith.addf %dot_general3A_12, %dot_general3A_20 : vector<1000x128xf32>
    %get3A_22 = arith.constant 0 : index
    %get3A_23 = arith.constant 0 : index
    %get3A_24 = vector.load %arg4[%get3A_22, %get3A_23] : memref<1x128xf32, #tpu.memory_space<vmem>>, vector<1x128xf32>
    %add3A_25 = vector.broadcast %get3A_24 : vector<1x128xf32> to vector<1000x128xf32>
    %add3A_26 = arith.addf %add3A_21, %add3A_25 : vector<1000x128xf32>
    %swap3A = arith.constant 0 : index
    %swap3A_27 = arith.constant 0 : index
    %swap3A_28 = vector.load %arg6[%swap3A, %swap3A_27] : memref<1000x128xf32, #tpu.memory_space<vmem>>, vector<1000x128xf32>
    tpu.vector_store %arg6[%swap3A, %swap3A_27], %add3A_26 {strides = array<i32>} : memref<1000x128xf32, #tpu.memory_space<vmem>>, vector<1000x128xf32>,
    return
  }
  func.func @transform_0(%arg0: i32) -> (i32, i32, i32) {
    %c0_i32 = arith.constant 0 : i32
    %c0_i32_0 = arith.constant 0 : i32
    %c0_i32_1 = arith.constant 0 : i32
    return %c0_i32, %arg0, %c0_i32_0 : i32, i32, i32
  }
  func.func @transform_1(%arg0: i32) -> (i32, i32) {
    %c0_i32 = arith.constant 0 : i32
    %c0_i32_0 = arith.constant 0 : i32
    return %arg0, %c0_i32 : i32, i32
  }
  func.func @transform_2(%arg0: i32) -> (i32, i32) {
    %c0_i32 = arith.constant 0 : i32
    %c0_i32_0 = arith.constant 0 : i32
    %c0_i32_1 = arith.constant 0 : i32
    return %c0_i32, %c0_i32_0 : i32, i32
  }
  func.func @transform_3(%arg0: i32) -> (i32, i32) {
    %c0_i32 = arith.constant 0 : i32
    %c0_i32_0 = arith.constant 0 : i32
    %c0_i32_1 = arith.constant 0 : i32
    return %c0_i32, %c0_i32_0 : i32, i32
  }
  func.func @transform_4(%arg0: i32) -> (i32, i32) {
    %c0_i32 = arith.constant 0 : i32
    %c0_i32_0 = arith.constant 0 : i32
    %c0_i32_1 = arith.constant 0 : i32
    return %c0_i32, %c0_i32_0 : i32, i32
  }
  func.func @transform_5(%arg0: i32) -> (i32, i32) {
    %c0_i32 = arith.constant 0 : i32
    %c0_i32_0 = arith.constant 0 : i32
    return %arg0, %c0_i32 : i32, i32
  }
}

module attributes {stable_mosaic.version = 14 : i64} {
  func.func @_pool_body(%arg0: i32, %arg1: memref<1x1x1000xi32, #tpu.memory_space<vmem>>, %arg2: memref<1000x128xf32, #tpu.memory_space<vmem>>, %arg3: memref<128x10xf32, #tpu.memory_space<vmem>>, %arg4: memref<1x10xf32, #tpu.memory_space<vmem>>, %arg5: memref<64x10xf32, #tpu.memory_space<vmem>>, %arg6: memref<64x128xf32, #tpu.memory_space<vmem>>, %arg7: memref<64x128xf32, #tpu.memory_space<vmem>>) attributes {dimension_semantics = [#tpu.dimension_semantics<arbitrary>], iteration_bounds = array<i64: 10>, scalar_prefetch = 0 : i64, scratch_operands = 2 : i64, tpu.core_type = #tpu.core_type<tc>, window_params = [{transform_indices = @transform_0, window_bounds = array<i64: 1, 1, 1000>}, {transform_indices = @transform_1, window_bounds = array<i64: 1000, 128>}, {pipeline_mode = #tpu.pipeline_mode<synchronous>, transform_indices = @transform_2, window_bounds = array<i64: 128, 10>}, {pipeline_mode = #tpu.pipeline_mode<synchronous>, transform_indices = @transform_3, window_bounds = array<i64: 1, 10>}, {pipeline_mode = #tpu.pipeline_mode<synchronous>, transform_indices = @transform_4, window_bounds = array<i64: 64, 10>}]} {
    %eq3A = arith.constant 0 : i32
    %eq3A_0 = arith.cmpi eq, %arg0, %eq3A : i32
    %convert_element_type3A = arith.extui %eq3A_0 : i1 to i32
    %cond3A = arith.constant 0 : i32
    %cond3A_1 = arith.cmpi ne, %convert_element_type3A, %cond3A : i32
    scf.if %cond3A_1 {
      %broadcast_in_dim3A_34 = arith.constant 0.000000e+00 : f32
      %broadcast_in_dim3A_35 = vector.broadcast %broadcast_in_dim3A_34 : f32 to vector<64x128xf32>
      %swap3A_36 = arith.constant 0 : index
      %swap3A_37 = arith.constant 0 : index
      %swap3A_38 = vector.load %arg6[%swap3A_36, %swap3A_37] : memref<64x128xf32, #tpu.memory_space<vmem>>, vector<64x128xf32>
      tpu.vector_store %arg6[%swap3A_36, %swap3A_37], %broadcast_in_dim3A_35 {strides = array<i32>} : memref<64x128xf32, #tpu.memory_space<vmem>>, vector<64x128xf32>,
      %broadcast_in_dim3A_39 = arith.constant 0.000000e+00 : f32
      %broadcast_in_dim3A_40 = vector.broadcast %broadcast_in_dim3A_39 : f32 to vector<64x128xf32>
      %swap3A_41 = arith.constant 0 : index
      %swap3A_42 = arith.constant 0 : index
      %swap3A_43 = vector.load %arg7[%swap3A_41, %swap3A_42] : memref<64x128xf32, #tpu.memory_space<vmem>>, vector<64x128xf32>
      tpu.vector_store %arg7[%swap3A_41, %swap3A_42], %broadcast_in_dim3A_40 {strides = array<i32>} : memref<64x128xf32, #tpu.memory_space<vmem>>, vector<64x128xf32>,
    } else {
    }
    %get3A = arith.constant 0 : index
    %get3A_2 = arith.constant 0 : index
    %get3A_3 = arith.constant 0 : index
    %get3A_4 = vector.load %arg1[%get3A, %get3A_2, %get3A_3] : memref<1x1x1000xi32, #tpu.memory_space<vmem>>, vector<1x1x1000xi32>
    %get3A_5 = vector.shape_cast %get3A_4 : vector<1x1x1000xi32> to vector<1000xi32>
    %broadcast_in_dim3A = vector.shape_cast %get3A_5 : vector<1000xi32> to vector<1000x1xi32>
    %iota3A = tpu.iota {dimensions = array<i32: 1>} : vector<1000x64xi32>
    %eq3A_6 = vector.broadcast %broadcast_in_dim3A : vector<1000x1xi32> to vector<1000x64xi32>
    %eq3A_7 = arith.cmpi eq, %eq3A_6, %iota3A : vector<1000x64xi32>
    %convert_element_type3A_8 = arith.extui %eq3A_7 : vector<1000x64xi1> to vector<1000x64xi32>
    %convert_element_type3A_9 = arith.sitofp %convert_element_type3A_8 : vector<1000x64xi32> to vector<1000x64xf32>
    %get3A_10 = arith.constant 0 : index
    %get3A_11 = arith.constant 0 : index
    %get3A_12 = vector.load %arg6[%get3A_10, %get3A_11] : memref<64x128xf32, #tpu.memory_space<vmem>>, vector<64x128xf32>
    %get3A_13 = arith.constant 0 : index
    %get3A_14 = arith.constant 0 : index
    %get3A_15 = vector.load %arg2[%get3A_13, %get3A_14] : memref<1000x128xf32, #tpu.memory_space<vmem>>, vector<1000x128xf32>
    %dot_general3A = arith.constant dense<0.000000e+00> : vector<64x128xf32>
    %dot_general3A_16 = tpu.matmul %convert_element_type3A_9, %get3A_15, %dot_general3A {dimension_numbers = #tpu.dot_dimension_numbers<[0], [0], [1], [1], [0, 1, 1, 1], [], []>, transpose_lhs_hint = false} : vector<1000x64xf32>, vector<1000x128xf32>, vector<64x128xf32> -> vector<64x128xf32>
    %add3A = arith.addf %get3A_12, %dot_general3A_16 : vector<64x128xf32>
    %swap3A = arith.constant 0 : index
    %swap3A_17 = arith.constant 0 : index
    %swap3A_18 = vector.load %arg6[%swap3A, %swap3A_17] : memref<64x128xf32, #tpu.memory_space<vmem>>, vector<64x128xf32>
    tpu.vector_store %arg6[%swap3A, %swap3A_17], %add3A {strides = array<i32>} : memref<64x128xf32, #tpu.memory_space<vmem>>, vector<64x128xf32>,
    %get3A_19 = arith.constant 0 : index
    %get3A_20 = arith.constant 0 : index
    %get3A_21 = vector.load %arg7[%get3A_19, %get3A_20] : memref<64x128xf32, #tpu.memory_space<vmem>>, vector<64x128xf32>
    %reduce_sum3A = arith.constant dense<0.000000e+00> : vector<64xf32>
    %reduce_sum3A_22 = vector.multi_reduction <add>, %convert_element_type3A_9, %reduce_sum3A [0] : vector<1000x64xf32> to vector<64xf32>
    %broadcast_in_dim3A_23 = vector.shape_cast %reduce_sum3A_22 : vector<64xf32> to vector<64x1xf32>
    %add3A_24 = vector.broadcast %broadcast_in_dim3A_23 : vector<64x1xf32> to vector<64x128xf32>
    %add3A_25 = arith.addf %get3A_21, %add3A_24 : vector<64x128xf32>
    %swap3A_26 = arith.constant 0 : index
    %swap3A_27 = arith.constant 0 : index
    %swap3A_28 = vector.load %arg7[%swap3A_26, %swap3A_27] : memref<64x128xf32, #tpu.memory_space<vmem>>, vector<64x128xf32>
    tpu.vector_store %arg7[%swap3A_26, %swap3A_27], %add3A_25 {strides = array<i32>} : memref<64x128xf32, #tpu.memory_space<vmem>>, vector<64x128xf32>,
    %eq3A_29 = arith.constant 9 : i32
    %eq3A_30 = arith.cmpi eq, %arg0, %eq3A_29 : i32
    %convert_element_type3A_31 = arith.extui %eq3A_30 : i1 to i32
    %cond3A_32 = arith.constant 0 : i32
    %cond3A_33 = arith.cmpi ne, %convert_element_type3A_31, %cond3A_32 : i32
    scf.if %cond3A_33 {
      %get3A_34 = arith.constant 0 : index
      %get3A_35 = arith.constant 0 : index
      %get3A_36 = vector.load %arg6[%get3A_34, %get3A_35] : memref<64x128xf32, #tpu.memory_space<vmem>>, vector<64x128xf32>
      %get3A_37 = arith.constant 0 : index
      %get3A_38 = arith.constant 0 : index
      %get3A_39 = vector.load %arg7[%get3A_37, %get3A_38] : memref<64x128xf32, #tpu.memory_space<vmem>>, vector<64x128xf32>
      %max3A = arith.constant 1.000000e+00 : f32
      %max3A_40 = vector.broadcast %max3A : f32 to vector<64x128xf32>
      %max3A_41 = arith.maximumf %get3A_39, %max3A_40 : vector<64x128xf32>
      %div3A = arith.divf %get3A_36, %max3A_41 : vector<64x128xf32>
      %get3A_42 = arith.constant 0 : index
      %get3A_43 = arith.constant 0 : index
      %get3A_44 = vector.load %arg3[%get3A_42, %get3A_43] : memref<128x10xf32, #tpu.memory_space<vmem>>, vector<128x10xf32>
      %dot_general3A_45 = arith.constant dense<0.000000e+00> : vector<64x10xf32>
      %dot_general3A_46 = tpu.matmul %div3A, %get3A_44, %dot_general3A_45 {dimension_numbers = #tpu.dot_dimension_numbers<[1], [0], [0], [1], [0, 0, 1, 1], [], []>, transpose_lhs_hint = false} : vector<64x128xf32>, vector<128x10xf32>, vector<64x10xf32> -> vector<64x10xf32>
      %get3A_47 = arith.constant 0 : index
      %get3A_48 = arith.constant 0 : index
      %get3A_49 = vector.load %arg4[%get3A_47, %get3A_48] : memref<1x10xf32, #tpu.memory_space<vmem>>, vector<1x10xf32>
      %add3A_50 = vector.broadcast %get3A_49 : vector<1x10xf32> to vector<64x10xf32>
      %add3A_51 = arith.addf %dot_general3A_46, %add3A_50 : vector<64x10xf32>
      %swap3A_52 = arith.constant 0 : index
      %swap3A_53 = arith.constant 0 : index
      %swap3A_54 = vector.load %arg5[%swap3A_52, %swap3A_53] : memref<64x10xf32, #tpu.memory_space<vmem>>, vector<64x10xf32>
      tpu.vector_store %arg5[%swap3A_52, %swap3A_53], %add3A_51 {strides = array<i32>} : memref<64x10xf32, #tpu.memory_space<vmem>>, vector<64x10xf32>,
    } else {
    }
    return
  }
  func.func @transform_0(%arg0: i32) -> (i32, i32, i32) {
    %c0_i32 = arith.constant 0 : i32
    %c0_i32_0 = arith.constant 0 : i32
    %c0_i32_1 = arith.constant 0 : i32
    return %arg0, %c0_i32, %c0_i32_0 : i32, i32, i32
  }
  func.func @transform_1(%arg0: i32) -> (i32, i32) {
    %c0_i32 = arith.constant 0 : i32
    %c0_i32_0 = arith.constant 0 : i32
    return %arg0, %c0_i32 : i32, i32
  }
  func.func @transform_2(%arg0: i32) -> (i32, i32) {
    %c0_i32 = arith.constant 0 : i32
    %c0_i32_0 = arith.constant 0 : i32
    %c0_i32_1 = arith.constant 0 : i32
    return %c0_i32, %c0_i32_0 : i32, i32
  }
  func.func @transform_3(%arg0: i32) -> (i32, i32) {
    %c0_i32 = arith.constant 0 : i32
    %c0_i32_0 = arith.constant 0 : i32
    %c0_i32_1 = arith.constant 0 : i32
    return %c0_i32, %c0_i32_0 : i32, i32
  }
  func.func @transform_4(%arg0: i32) -> (i32, i32) {
    %c0_i32 = arith.constant 0 : i32
    %c0_i32_0 = arith.constant 0 : i32
    %c0_i32_1 = arith.constant 0 : i32
    return %c0_i32, %c0_i32_0 : i32, i32
  }
}

</mosaic_0001>

<sc_bundles>
// kernel: kernel.12.cloned.1.call-start
scs
__scs_entry_jumppad:
0x0: {  	(pc) =	sbr.rel $0x88, $3  }
0x1: {  	(tag) =	ssettag $0x0;
	lr =	simm.s32 $0x1  }
0x2: {  	[smem:$0x3F93] =	sst lr;
	_ =	strace $0xD0000000  }
0x3: {  	_ = 	snop  }
0x4: {  	_ = 	snop  }
0x5: {  	_ = 	snop  }
0x6: {  	_ = 	snop  }
0x7: {  	_ = 	snop  }
__scs_overlays_trampoline_lowered:
0x8: {  	[smem:$0x3FA2] =	sst s0  }
0x9: {  	[smem:$0x3FA3] =	sst s1  }
0xa: {  	[smem:$0x3FA4] =	sst s2  }
0xb: {  	[smem:$0x3FA5] =	sst s3  }
0xc: {  	[smem:$0x3FA6] =	sst s4  }
0xd: {  	[smem:$0x3FA7] =	sst s5  }
0xe: {  	[smem:$0x3FA8] =	sst s6  }
0xf: {  	[smem:$0x3FA9] =	sst s7  }
0x10: {  	[smem:$0x3FAA] =	sst s8  }
0x11: {  	[smem:$0x3FAB] =	sst s9;
	s0 =	simm.s32 @!p0 $0x0  }
0x12: {  	s1 =	sld [smem:$0x3F91];
	s0 =	simm.s32 @p0 $0x1  }
0x13: {  	[smem:$0x3FAC] =	sst s0;
	s0 =	simm.s32 @!p1 $0x0  }
0x14: {  	s2 =	sld [smem:$0x3F90];
	s0 =	simm.s32 @p1 $0x1  }
0x15: {  	[smem:$0x3FAD] =	sst s0;
	s0 =	simm.s32 @!p2 $0x0  }
0x16: {  	s3 =	sld [smem:$0x3FDB];
	s0 =	simm.s32 @p2 $0x1  }
0x17: {  	s4 =	simm.s32 $0x1BF5;
	[smem:$0x3FAF] =	sst s0  }
0x18: {  	s0 =	sld [smem:$0x3F92];
	_ =	swait.ge [sflag:s4], $0x0  }
0x19: {  	s7 =	sld [smem:$0x3F93]  }
0x1a: {  	s8 =	sadd.s32 $0xFFFFE003, lr  }
0x1b: {  	s9 =	sadd.s32 $0xFFFFFEF7, lr;
	s5 =	simm.s32 $0xFFFFFFFF;
	p2 =	slt.u32 s8, $0xFFFFF086  }
0x1c: {  	p1 =	slt.u32 s9, $0xF7A;
	s5 =	simm.s32 @!p2 $0x0  }
0x1d: {  	s5 =	simm.s32 @p1 $0x1;
	p0 =	seq.s32 s7, s2  }
0x1e: {  	s7 =	smul.u32 @!p0 $0xF7A, s2;
	p2 =	seq.s32 @!p0 s5, $0x0  }
0x1f: {  	s9 =	smul.u32 $0xF7A, s1;
	s8 =	simm.s32 @!p0 $0x1BF5;
	p2 =	por !p2, p0  }
0x20: {  	[sflag:s8] =	ssyncset.s32 @!p0 $0xFFFFF086;
	s6 =	sadd.s32 @!p0 s3, s7;
	s7 =	simm.s32 @!p0 $0x108  }
0x21: {  	s3 =	sadd.s32 s3, s9;
	s6 =	sadd.s32 @!p0 $0x88, s6;
	s7 =	simm.s32 @p2 $0x1082  }
0x22: {  	[simem:s7], [sflag:s8] =	dma.local @!p0 [hbm:s6], $0xF7A  }
0x23: {  	s9 =	sor.u32 $0xD0000000, s2;
	s6 =	simm.s32 $0x108;
	_ =	swait.ge @!p0 [sflag:s8], $0x0  }
0x24: {  	s3 =	sadd.s32 $0x88, s3;
	s6 =	simm.s32 @!p1 $0x1082;
	[sflag:s4] =	ssyncset.s32 $0xFFFFF086  }
0x25: {  	[simem:s6], [sflag:s4] =	dma.local [hbm:s3], $0xF7A  }
0x26: {  	[smem:$0x3F93] =	sst s1;
	(tag) =	ssettag s2;
	_ =	strace s9  }
0x27: {  	s1 =	sld [smem:$0x3FA3]  }
0x28: {  	s2 =	sld [smem:$0x3FA4]  }
0x29: {  	s4 =	sld [smem:$0x3FA6]  }
0x2a: {  	p0 =	seq.s32 s5, $0x0;
	s5 =	sld [smem:$0x3FA7]  }
0x2b: {  	s6 =	sld [smem:$0x3FA8]  }
0x2c: {  	s7 =	sld [smem:$0x3FA9]  }
0x2d: {  	s3 =	simm.s32 $0x108;
	s8 =	sld [smem:$0x3FAA]  }
0x2e: {  	s3 =	simm.s32 @!p0 $0x1082;
	s9 =	sld [smem:$0x3FAB]  }
0x2f: {  	lr =	sadd.s32 s0, s3;
	s0 =	sld [smem:$0x3FA2]  }
0x30: {  	s3 =	sld [smem:$0x3FA5]  }
0x31: {  	[smem:$0x3FAE] =	sst s10  }
0x32: {  	s10 =	sld [smem:$0x3FAC];
	_ =	sdelay $0x3  }
0x33: {  	p0 =	seq.s32 s10, $0x1;
	s10 =	sld [smem:$0x3FAE];
	_ =	sdelay $0x3  }
0x34: {  	[smem:$0x3FAE] =	sst s10  }
0x35: {  	s10 =	sld [smem:$0x3FAD];
	_ =	sdelay $0x3  }
0x36: {  	p1 =	seq.s32 s10, $0x1;
	s10 =	sld [smem:$0x3FAE];
	_ =	sdelay $0x3  }
0x37: {  	[smem:$0x3FAE] =	sst s10  }
0x38: {  	s10 =	sld [smem:$0x3FAF]  }
0x39: {  	_ = 	snop;
	(pc) =	sbr.ind lr, $3  }
0x3a: {  	_ = 	snop  }
0x3b: {  	_ = 	snop  }
0x3c: {  	p2 =	seq.s32 s10, $0x1;
	s10 =	sld [smem:$0x3FAE]  }
0x3d: {  	_ =	shalt  }
0x3e: {  	_ =	shalt  }
0x3f: {  	_ =	shalt  }
0x40: {  	_ =	shalt  }
0x41: {  	_ =	shalt  }
0x42: {  	_ =	shalt  }
0x43: {  	_ =	shalt  }
0x44: {  	_ =	shalt  }
0x45: {  	_ =	shalt  }
0x46: {  	_ =	shalt  }
0x47: {  	_ =	shalt  }
0x48: {  	_ =	shalt  }
0x49: {  	_ =	shalt  }
0x4a: {  	_ =	shalt  }
0x4b: {  	_ =	shalt  }
0x4c: {  	_ =	shalt  }
0x4d: {  	_ =	shalt  }
0x4e: {  	_ =	shalt  }
0x4f: {  	_ =	shalt  }
0x50: {  	_ =	shalt  }
0x51: {  	_ =	shalt  }
0x52: {  	_ =	shalt  }
0x53: {  	_ =	shalt  }
0x54: {  	_ =	shalt  }
0x55: {  	_ =	shalt  }
0x56: {  	_ =	shalt  }
0x57: {  	_ =	shalt  }
0x58: {  	_ =	shalt  }
0x59: {  	_ =	shalt  }
0x5a: {  	_ =	shalt  }
0x5b: {  	_ =	shalt  }
0x5c: {  	_ =	shalt  }
0x5d: {  	_ =	shalt  }
0x5e: {  	_ =	shalt  }
0x5f: {  	_ =	shalt  }
0x60: {  	_ =	shalt  }
0x61: {  	_ =	shalt  }
0x62: {  	_ =	shalt  }
0x63: {  	_ =	shalt  }
0x64: {  	_ =	shalt  }
0x65: {  	_ =	shalt  }
0x66: {  	_ =	shalt  }
0x67: {  	_ =	shalt  }
0x68: {  	_ =	shalt  }
0x69: {  	_ =	shalt  }
0x6a: {  	_ =	shalt  }
0x6b: {  	_ =	shalt  }
0x6c: {  	_ =	shalt  }
0x6d: {  	_ =	shalt  }
0x6e: {  	_ =	shalt  }
0x6f: {  	_ =	shalt  }
0x70: {  	_ =	shalt  }
0x71: {  	_ =	shalt  }
0x72: {  	_ =	shalt  }
0x73: {  	_ =	shalt  }
0x74: {  	_ =	shalt  }
0x75: {  	_ =	shalt  }
0x76: {  	_ =	shalt  }
0x77: {  	_ =	shalt  }
0x78: {  	_ =	shalt  }
0x79: {  	_ =	shalt  }
0x7a: {  	_ =	shalt  }
0x7b: {  	_ =	shalt  }
0x7c: {  	_ =	shalt  }
0x7d: {  	_ =	shalt  }
0x7e: {  	_ =	shalt  }
0x7f: {  	_ =	shalt  }
0x80: {  	_ =	shalt  }
0x81: {  	_ =	shalt  }
0x82: {  	_ =	shalt  }
0x83: {  	_ =	shalt  }
0x84: {  	_ =	shalt  }
0x85: {  	_ =	shalt  }
0x86: {  	_ =	shalt  }
0x87: {  	_ =	shalt  }
.Lfunc_end0:
.L_simem_size_0:
called_computation.1_lowered:
.L_overlay_start_0:
0x88: {  	s2 =	sld [smem:$0x3FD9]  }
0x89: {  	s3 =	sld [smem:$0x3FFE];
	_ =	sdelay $0x1  }
0x8a: {  	s1 =	srdreg.scid  }
0x8b: {  	s0 =	sand.u32 $0x1, s1  }
0x8c: {  	s16 =	sshll.u32 s0, $0xA;
	s2 =	sadd.s32 s3, s2  }
0x8d: {  	s2 =	sadd.s32 s2, s16  }
0x8e: {  	[smem:$0x3FBA] =	sst s2  }
0x8f: {  	_ = 	snop  }
0x90: {  	(tm) =	ssettm $0x1  }
0x91: {  	s17 =	sld [smem:$0x3FFB];
	_ =	sdelay $0x3  }
0x92: {  	_ =	strace s17  }
0x93: {  	s2 =	sld [smem:$0x3FFC];
	_ =	sdelay $0x3  }
0x94: {  	_ =	strace s2  }
0x95: {  	s2 =	sld [smem:$0x3FFD];
	_ =	sdelay $0x3  }
0x96: {  	_ =	strace s2  }
0x97: {  	_ =	strace $0x8FFFFFFF  }
0x98: {  	s18 =	sld [smem:$0x3FDB];
	_ =	sdelay $0x1  }
0x99: {  	s19 =	simm.s32 $_scs_section_size  }
0x9a: {  	s4 =	simm.s32 $_size__tile_overlayer_lowered;
	s5 =	simm.s32 $_tile_overlayer_lowered  }
0x9b: {  	s22 =	simm.s32 $0x1BFF;
	s21 =	sshll.u32 s5, $0x1;
	s2 =	sadd.s32 s19, s18  }
0x9c: {  	s6 =	simm.s32 $0x0;
	s20 =	sshll.u32 s4, $0x1;
	s4 =	sadd.s32 s21, s2  }
0x9d: {  	[timem:s6], [sflag:s22] =	dma.local [hbm:s4], s20  }
0x9e: {  	_ =	swait.ge [sflag:s22], s20  }
0x9f: {  	s3 =	ssub.s32 $0x0, s20;
	[sflag:s22] =	ssyncset.done $0x0  }
0xa0: {  	[sflag:s22] =	ssyncadd.s32 s3;
	_ =	sdelay $0x1  }
0xa1: {  	s23 =	simm.s32 $0x1B8B  }
0xa2: {  	_ =	swait.ge [sflag:s23], $0x1  }
0xa3: {  	[sflag:s23] =	ssyncset.done $0x0  }
0xa4: {  	s25 =	simm.s32 $0x1B8E;
	s24 =	sld [smem:$0x3FFE];
	[sflag:s23] =	ssyncadd.s32 $0xFFFFFFFF  }
0xa5: {  	s26 =	simm.s32 $execute0_lowered;
	[smem:$0x3FD2] =	sst s25  }
0xa6: {  	s4 =	sshll.u32 s26, $0x1;
	_ =	strace $0x80000049;
	[dreg:$0x1] =	wrdreg $0xFFFFFFFF  }
0xa7: {  	s28 =	simm.s32 $_size_execute0_lowered;
	s2 =	sadd.s32 s2, s4;
	[dreg:$0x0] =	wrdreg $0x0  }
0xa8: {  	s4 =	sshll.u32 s28, $0x1;
	[dreg:$0x2] =	wrdreg s2  }
0xa9: {  	[dreg:$0x3] =	wrdreg s4  }
0xaa: {  	[dreg:$0x4] =	wrdreg $0xC0  }
0xab: {  	_ =	task [dreg:s6], $0x5FFFF  }
0xac: {  	[dreg:$0x1] =	wrdreg $0xFFFFFFFF  }
0xad: {  	[dreg:$0x0] =	wrdreg $0x60  }
0xae: {  	[dreg:$0x2] =	wrdreg s24  }
0xaf: {  	[dreg:$0x3] =	wrdreg $0x81000  }
0xb0: {  	[dreg:$0x4] =	wrdreg $0x9  }
0xb1: {  	_ =	task.clear_ibuf [dreg:s6], $0x5FFFF;
	_ =	strace $0x90000049  }
0xb2: {  	s29 =	simm.s32 $0x9;
	_ =	strace $0x8000004B  }
0xb3: {  	_ =	swait.ge [sflag:s29], $0x1  }
0xb4: {  	[sflag:s29] =	ssyncadd.s32 $0xFFFFFFFF  }
0xb5: {  	_ =	strace $0x9000004B  }
0xb6: {  	_ =	sfence  }
0xb7: {  	s30 =	sld [smem:$0x0];
	_ =	sdelay $0x2  }
0xb8: {  	s31 =	sshll.u32 s1, $0xD;
	s1 =	sshrl.u32 s1, $0x2  }
0xb9: {  	s3 =	sand.u32 $0x4000, s31;
	s1 =	sadd.s32 s1, s30  }
0xba: {  	s0 =	sor.u32 s3, s0;
	s1 =	sshll.u32 s1, $0x11  }
0xbb: {  	s0 =	sor.u32 s1, s0  }
0xbc: {  	s0 =	sadd.s32 $0x8F2B, s0  }
0xbd: {  	[sflag:s0] =	ssyncadd.remote.s32 $0x1  }
0xbe: {  	_ =	sfence.sel $0xFFFF  }
0xbf: {  	[dreg:$0x0] =	wrdreg $0xFFFFFFFF;
	(pc) =	sbr.abs _section_cstart, $3  }
0xc0: {  	[dreg:$0x1] =	wrdreg $0xFFFFFFFF  }
0xc1: {  	_ =	task.clear_ibuf [dreg:s6], $0x2FFFF;
	_ =	strace $0x9FFFFFFF  }
0xc2: {  	(tm) =	ssettm $0x7FFFFFFF  }
0xc3: {  	_ =	shalt  }
tec
execute0_lowered:
.L_overlay_start_1:
0x0: {  	(tag) =	ssettag $0x1  }
0x1: {  	s5 =	rddreg [dreg:$0x0]  }
0x2: {  	s0 =	srdreg.scid;
	s1 =	rddreg [dreg:$0x1]  }
0x3: {  	s3 =	simm.s32 $0x0;
	s2 =	stileid.u32;
	s14 =	simm.s32 $0x4100  }
0x4: {  	s15 =	simm.s32 $0x2;
	s16 =	simm.s32 $0x80;
	s8 =	smul.u32 $0x14000, s2  }
0x5: {  	s17 =	simm.s32 $0x100;
	s18 =	simm.s32 $0x1;
	s30 =	smul.u32 $0x50000, s2  }
0x6: {  	s6 =	sand.u32 $0x1, s0;
	s0 =	rddreg [dreg:$0x2];
	s12 =	smul.u32 $0x4F0, s2  }
0x7: {  	s21 =	simm.s32 $0x0;
	[smem:$0x7FF] =	sst s3;
	s4 =	smul.u32 $0x4F00, s6  }
0x8: {  	s19 =	sshll.u32 s2, $0x6;
	s7 =	smul.u32 $0x140000, s6;
	s6 =	ssub.s32 $0x2, s6  }
0x9: {  	_ =	strace $0x8000004A;
	s19 =	sor.u32 $0x1C02, s19;
	s31 =	sshrl.u32 s6, $0x1  }
0xa: {  	s11 =	sadd.s32 s4, s5;
	s7 =	sadd.s32 s8, s7;
	s4 =	sadd.s32 $0x16E00, s5  }
0xb: {  	s8 =	sshrl.u32 s30, $0x2;
	s9 =	ssub.s32 s6, s31;
	s7 =	sshrl.u32 s7, $0x3  }
0xc: {  	s13 =	sadd.s32 s12, s11;
	s7 =	sadd.s32 s7, s5;
	s5 =	sadd.s32 s8, s1  }
0xd: {  	s12 =	sadd.s32 $0xD000, s13;
	s13 =	sadd.s32 $0x3200, s13;
	s6 =	sadd.s32 $0x3E000, s7  }
0xe: {  	s7 =	smax.u32 s9, $0x1;
	s8 =	sadd.s32 $0x4000, s5;
	s9 =	sadd.s32 $0x8000, s5  }
0xf: {  	v0 =	vimm.f32 $0.0e+00;
	s10 =	sadd.s32 $0xC000, s5;
	s11 =	sadd.s32 $0x10000, s5;
	s20 =	sshrl.u32 s5, $0x3  }
.LBB2_1:
0x10: {  	s22 =	simm.s32 $0x0;
	s23 =	simm.s32 $0x200  }
.LBB2_2:
0x11: {  	p0 =	sne.s32 s23, $0xFE00;
	[tilespmem:s22+$0x4170] =	vst v0  }
0x12: {  	[tilespmem:s22+$0x4100] =	vst v0  }
0x13: {  	[tilespmem:s22+$0x4110] =	vst v0  }
.Ltmp0:
0x14: {  	[tilespmem:s22+$0x4120] =	vst v0;
	(pc) =	sbr.rel @p0 .LBB2_2-.Ltmp0, $4  }
0x15: {  	[tilespmem:s22+$0x4130] =	vst v0  }
0x16: {  	[tilespmem:s22+$0x4140] =	vst v0  }
0x17: {  	[tilespmem:s22+$0x4150] =	vst v0  }
0x18: {  	[tilespmem:s22+$0x4160] =	vst v0;
	s22 =	sshra.s32 s23, $0x2;
	s23 =	sadd.s32 $0x200, s23  }
0x19: {  	[tilespmem:s22+$0x4170] =	vst v0  }
0x1a: {  	[tilespmem:s22+$0x4100] =	vst v0  }
0x1b: {  	[tilespmem:s22+$0x4110] =	vst v0  }
0x1c: {  	[tilespmem:s22+$0x4120] =	vst v0  }
0x1d: {  	[tilespmem:s22+$0x4130] =	vst v0  }
0x1e: {  	[tilespmem:s22+$0x4140] =	vst v0  }
0x1f: {  	[tilespmem:s22+$0x4150] =	vst v0  }
0x20: {  	[tilespmem:s22+$0x4160] =	vst v0  }
0x21: {  	[spmem:s5] =	stream.linear.scatter [tilespmem:s14], [sflag:$0x2], $0x4000, $0x38;
	[tilespmem:$0x1C100] =	vst v63  }
0x22: {  	_ =	swait.ge [sflag:s15], $0x4000  }
0x23: {  	[sflag:s15] =	ssyncset.done $0x0  }
0x24: {  	[sflag:s15] =	ssyncadd.s32 $0xFFFFC000  }
0x25: {  	[spmem:s8] =	stream.linear.scatter [tilespmem:s14], [sflag:$0x2], $0x4000, $0x38;
	[tilespmem:$0x1C100] =	vst v63  }
0x26: {  	_ =	swait.ge [sflag:s15], $0x4000  }
0x27: {  	[sflag:s15] =	ssyncset.done $0x0  }
0x28: {  	[sflag:s15] =	ssyncadd.s32 $0xFFFFC000  }
0x29: {  	[spmem:s9] =	stream.linear.scatter [tilespmem:s14], [sflag:$0x2], $0x4000, $0x38;
	[tilespmem:$0x1C100] =	vst v63  }
0x2a: {  	_ =	swait.ge [sflag:s15], $0x4000  }
0x2b: {  	[sflag:s15] =	ssyncset.done $0x0  }
0x2c: {  	[sflag:s15] =	ssyncadd.s32 $0xFFFFC000  }
0x2d: {  	[spmem:s10] =	stream.linear.scatter [tilespmem:s14], [sflag:$0x2], $0x4000, $0x38;
	[tilespmem:$0x1C100] =	vst v63  }
0x2e: {  	_ =	swait.ge [sflag:s15], $0x4000  }
0x2f: {  	[sflag:s15] =	ssyncset.done $0x0  }
0x30: {  	[sflag:s15] =	ssyncadd.s32 $0xFFFFC000  }
0x31: {  	[spmem:s11] =	stream.linear.scatter [tilespmem:s14], [sflag:$0x2], $0x4000, $0x38;
	[tilespmem:$0x1C100] =	vst v63  }
0x32: {  	_ =	swait.ge [sflag:s15], $0x4000  }
0x33: {  	[sflag:s15] =	ssyncset.done $0x0  }
0x34: {  	[sflag:s15] =	ssyncadd.s32 $0xFFFFC000  }
0x35: {  	s30 =	sadd.s32 $0x0, s13;
	[bflag:$0x0] =	sbarrier.arrive $0xFFFF  }
0x36: {  	[tilespmem:s3], [sflag:$0x2] =	stream.linear.gather [hbm4b:s30+s3], $0x80, $0x38;
	[tilespmem:$0x1C100] =	vst v63  }
0x37: {  	_ =	swait.ge [sflag:s15], $0x80  }
0x38: {  	[sflag:s15] =	ssyncset.done $0x0  }
0x39: {  	s31 =	sadd.s32 $0x0, s12;
	[sflag:s15] =	ssyncadd.s32 $0xFFFFFF80  }
0x3a: {  	[tilespmem:s16], [sflag:$0x2] =	stream.linear.gather [hbm4b:s31+s3], $0x80, $0x38;
	[tilespmem:$0x1C100] =	vst v63  }
0x3b: {  	_ =	swait.ge [sflag:s15], $0x80  }
0x3c: {  	[sflag:s15] =	ssyncset.done $0x0  }
0x3d: {  	[sflag:s15] =	ssyncadd.s32 $0xFFFFFF80  }
0x3e: {  	[tilespmem:s17], [sflag:$0x1] =	stream.indirect.gather [hbm4b:s4+s16], $0x80, s3, s16, $0xb8;
	[tilespmem:$0x1C100] =	vst v63  }
0x3f: {  	_ =	swait.ge [sflag:s18], $0x4000  }
0x40: {  	[sflag:s18] =	ssyncset.done $0x0  }
0x41: {  	[sflag:s18] =	ssyncadd.s32 $0xFFFFC000  }
0x42: {  	[spmem:s1] =	stream.indirect.scatter.add.f32 [tilespmem:s17], [sflag:$0x2], $0x80, s16, s16, $0xb8;
	[tilespmem:$0x1C100] =	vst v63  }
0x43: {  	_ =	swait.ge [sflag:s15], $0x4000  }
0x44: {  	s22 =	simm.s32 $0x10;
	s23 =	simm.s32 $0x20;
	[sflag:s15] =	ssyncset.done $0x0  }
.LBB2_4:
0x45: {  	s24 =	sadd.s32 s22, s13  }
0x46: {  	[sflag:s15] =	ssyncadd.s32 $0xFFFFC000;
	s25 =	smov.u32 s23;
	s26 =	sadd.s32 $0x10, s23  }
0x47: {  	[tilespmem:s3], [sflag:$0x2] =	stream.linear.gather [hbm4b:s24+s3], $0x80, $0x38;
	[tilespmem:$0x1C100] =	vst v63  }
0x48: {  	p0 =	sne.s32 s23, $0x4E0;
	_ =	swait.ge [sflag:s15], $0x80  }
0x49: {  	[sflag:s15] =	ssyncset.done $0x0  }
0x4a: {  	s23 =	sadd.s32 s22, s12;
	s22 =	smov.u32 s25;
	[sflag:s15] =	ssyncadd.s32 $0xFFFFFF80  }
0x4b: {  	[tilespmem:s16], [sflag:$0x2] =	stream.linear.gather [hbm4b:s23+s3], $0x80, $0x38;
	[tilespmem:$0x1C100] =	vst v63  }
0x4c: {  	_ =	swait.ge [sflag:s15], $0x80  }
0x4d: {  	[sflag:s15] =	ssyncset.done $0x0  }
0x4e: {  	[sflag:s15] =	ssyncadd.s32 $0xFFFFFF80  }
0x4f: {  	[tilespmem:s17], [sflag:$0x1] =	stream.indirect.gather [hbm4b:s4+s16], $0x80, s3, s16, $0xb8;
	[tilespmem:$0x1C100] =	vst v63  }
0x50: {  	_ =	swait.ge [sflag:s18], $0x4000  }
.Ltmp1:
0x51: {  	[sflag:s18] =	ssyncset.done $0x0;
	(pc) =	sbr.rel @p0 .LBB2_4-.Ltmp1, $4  }
0x52: {  	[sflag:s18] =	ssyncadd.s32 $0xFFFFC000  }
0x53: {  	[spmem:s1] =	stream.indirect.scatter.add.f32 [tilespmem:s17], [sflag:$0x2], $0x80, s16, s16, $0xb8;
	[tilespmem:$0x1C100] =	vst v63  }
0x54: {  	_ =	swait.ge [sflag:s15], $0x4000  }
0x55: {  	s23 =	smov.u32 s26;
	[sflag:s15] =	ssyncset.done $0x0  }
0x56: {  	s23 =	sadd.s32 s22, s13;
	[sflag:s15] =	ssyncadd.s32 $0xFFFFC000  }
0x57: {  	[tilespmem:s3], [sflag:$0x2] =	stream.linear.gather [hbm4b:s23+s3], $0x80, $0x38;
	[tilespmem:$0x1C100] =	vst v63  }
0x58: {  	_ =	swait.ge [sflag:s15], $0x80  }
0x59: {  	[sflag:s15] =	ssyncset.done $0x0  }
0x5a: {  	s31 =	sadd.s32 s22, s12;
	[sflag:s15] =	ssyncadd.s32 $0xFFFFFF80  }
0x5b: {  	[tilespmem:s16], [sflag:$0x2] =	stream.linear.gather [hbm4b:s31+s3], $0x80, $0x38;
	[tilespmem:$0x1C100] =	vst v63  }
0x5c: {  	_ =	swait.ge [sflag:s15], $0x80  }
0x5d: {  	[sflag:s15] =	ssyncset.done $0x0  }
0x5e: {  	[sflag:s15] =	ssyncadd.s32 $0xFFFFFF80  }
0x5f: {  	[tilespmem:s17], [sflag:$0x1] =	stream.indirect.gather [hbm4b:s4+s16], $0x80, s3, s16, $0xb8;
	[tilespmem:$0x1C100] =	vst v63  }
0x60: {  	_ =	swait.ge [sflag:s18], $0x4000  }
0x61: {  	[sflag:s18] =	ssyncset.done $0x0  }
0x62: {  	[sflag:s18] =	ssyncadd.s32 $0xFFFFC000  }
0x63: {  	[spmem:s1] =	stream.indirect.scatter.add.f32 [tilespmem:s17], [sflag:$0x2], $0x80, s16, s16, $0xb8;
	[tilespmem:$0x1C100] =	vst v63  }
0x64: {  	_ =	swait.ge [sflag:s15], $0x4000  }
0x65: {  	s21 =	sadd.s32 $0x1, s21;
	[sflag:s15] =	ssyncset.done $0x0  }
0x66: {  	p0 =	sne.s32 s21, s7;
	[sflag:s15] =	ssyncadd.s32 $0xFFFFC000  }
.Ltmp2:
0x67: {  	[bflag:$0x0] =	sbarrier.arrive $0xFFFF;
	(pc) =	sbr.rel @p0 .LBB2_1-.Ltmp2, $4  }
0x68: {  	[hbm:s6], [sflag:s19] =	dma.local [spmem:s20], $0x2800  }
0x69: {  	_ =	swait.ge [sflag:s15], $0x2800  }
0x6a: {  	[sflag:s15] =	ssyncset.done $0x0  }
0x6b: {  	[sflag:s15] =	ssyncadd.s32 $0xFFFFD800  }
0x6c: {  	_ =	sfence.sel $0x180000  }
0x6d: {  	[bflag:$0x0] =	sbarrier.arrive $0xFFFF  }
0x6e: {  	p0 =	sne.s32 s2, $0x0;
	_ =	strace $0x9000004A  }
0x6f: {  	s0 =	sadd.s32 @!p0 $0x100000, s0;
	[bflag:$0x2] =	sbarrier.arrive $0xFFFF  }
0x70: {  	[sflag:s0] =	ssyncadd.tile.s32 @!p0 $0x1;
	_ =	shalt  }
.Lfunc_end2:
_tile_overlayer_lowered:
.L_overlay_start_2:
0x71: {  	(tag) =	ssettag $0x2  }
0x72: {  	s0 =	rddreg [dreg:$0x0];
	s2 =	stileid.u32  }
0x73: {  	s1 =	rddreg [dreg:$0x1];
	p0 =	sne.s32 s2, $0x0  }
0x74: {  	s3 =	rddreg [dreg:$0x2];
	[bflag:$0x3] =	sbarrier.arrive $0xFFFF;
	s2 =	simm.s32 @!p0 $0x1C02  }
0x75: {  	[timem:s3], [sflag:s2] =	dma.local @!p0 [hbm:s0], s1  }
0x76: {  	s0 =	simm.s32 @!p0 $0x2  }
0x77: {  	_ =	swait.ge @!p0 [sflag:s0], s1  }
0x78: {  	s1 =	ssub.s32 @!p0 $0x0, s1;
	[sflag:s0] =	ssyncset.done @!p0 $0x0  }
0x79: {  	[sflag:s0] =	ssyncadd.s32 @!p0 s1  }
0x7a: {  	[bflag:$0x3] =	sbarrier.arrive $0xFFFF  }
0x7b: {  	_ =	shalt  }

// kernel: kernel.15.cloned.1.call-start
scs
__scs_entry_jumppad:
0x0: {  	(pc) =	sbr.rel $0x88, $3  }
0x1: {  	(tag) =	ssettag $0x0;
	lr =	simm.s32 $0x1  }
0x2: {  	[smem:$0x3F93] =	sst lr;
	_ =	strace $0xD0000000  }
0x3: {  	_ = 	snop  }
0x4: {  	_ = 	snop  }
0x5: {  	_ = 	snop  }
0x6: {  	_ = 	snop  }
0x7: {  	_ = 	snop  }
__scs_overlays_trampoline_lowered:
0x8: {  	[smem:$0x3FA2] =	sst s0  }
0x9: {  	[smem:$0x3FA3] =	sst s1  }
0xa: {  	[smem:$0x3FA4] =	sst s2  }
0xb: {  	[smem:$0x3FA5] =	sst s3  }
0xc: {  	[smem:$0x3FA6] =	sst s4  }
0xd: {  	[smem:$0x3FA7] =	sst s5  }
0xe: {  	[smem:$0x3FA8] =	sst s6  }
0xf: {  	[smem:$0x3FA9] =	sst s7  }
0x10: {  	[smem:$0x3FAA] =	sst s8  }
0x11: {  	[smem:$0x3FAB] =	sst s9;
	s0 =	simm.s32 @!p0 $0x0  }
0x12: {  	s1 =	sld [smem:$0x3F91];
	s0 =	simm.s32 @p0 $0x1  }
0x13: {  	[smem:$0x3FAC] =	sst s0;
	s0 =	simm.s32 @!p1 $0x0  }
0x14: {  	s2 =	sld [smem:$0x3F90];
	s0 =	simm.s32 @p1 $0x1  }
0x15: {  	[smem:$0x3FAD] =	sst s0;
	s0 =	simm.s32 @!p2 $0x0  }
0x16: {  	s3 =	sld [smem:$0x3FDB];
	s0 =	simm.s32 @p2 $0x1  }
0x17: {  	s4 =	simm.s32 $0x1BF5;
	[smem:$0x3FAF] =	sst s0  }
0x18: {  	s0 =	sld [smem:$0x3F92];
	_ =	swait.ge [sflag:s4], $0x0  }
0x19: {  	s7 =	sld [smem:$0x3F93]  }
0x1a: {  	s8 =	sadd.s32 $0xFFFFE003, lr  }
0x1b: {  	s9 =	sadd.s32 $0xFFFFFEF7, lr;
	s5 =	simm.s32 $0xFFFFFFFF;
	p2 =	slt.u32 s8, $0xFFFFF086  }
0x1c: {  	p1 =	slt.u32 s9, $0xF7A;
	s5 =	simm.s32 @!p2 $0x0  }
0x1d: {  	s5 =	simm.s32 @p1 $0x1;
	p0 =	seq.s32 s7, s2  }
0x1e: {  	s7 =	smul.u32 @!p0 $0xF7A, s2;
	p2 =	seq.s32 @!p0 s5, $0x0  }
0x1f: {  	s9 =	smul.u32 $0xF7A, s1;
	s8 =	simm.s32 @!p0 $0x1BF5;
	p2 =	por !p2, p0  }
0x20: {  	[sflag:s8] =	ssyncset.s32 @!p0 $0xFFFFF086;
	s6 =	sadd.s32 @!p0 s3, s7;
	s7 =	simm.s32 @!p0 $0x108  }
0x21: {  	s3 =	sadd.s32 s3, s9;
	s6 =	sadd.s32 @!p0 $0x88, s6;
	s7 =	simm.s32 @p2 $0x1082  }
0x22: {  	[simem:s7], [sflag:s8] =	dma.local @!p0 [hbm:s6], $0xF7A  }
0x23: {  	s9 =	sor.u32 $0xD0000000, s2;
	s6 =	simm.s32 $0x108;
	_ =	swait.ge @!p0 [sflag:s8], $0x0  }
0x24: {  	s3 =	sadd.s32 $0x88, s3;
	s6 =	simm.s32 @!p1 $0x1082;
	[sflag:s4] =	ssyncset.s32 $0xFFFFF086  }
0x25: {  	[simem:s6], [sflag:s4] =	dma.local [hbm:s3], $0xF7A  }
0x26: {  	[smem:$0x3F93] =	sst s1;
	(tag) =	ssettag s2;
	_ =	strace s9  }
0x27: {  	s1 =	sld [smem:$0x3FA3]  }
0x28: {  	s2 =	sld [smem:$0x3FA4]  }
0x29: {  	s4 =	sld [smem:$0x3FA6]  }
0x2a: {  	p0 =	seq.s32 s5, $0x0;
	s5 =	sld [smem:$0x3FA7]  }
0x2b: {  	s6 =	sld [smem:$0x3FA8]  }
0x2c: {  	s7 =	sld [smem:$0x3FA9]  }
0x2d: {  	s3 =	simm.s32 $0x108;
	s8 =	sld [smem:$0x3FAA]  }
0x2e: {  	s3 =	simm.s32 @!p0 $0x1082;
	s9 =	sld [smem:$0x3FAB]  }
0x2f: {  	lr =	sadd.s32 s0, s3;
	s0 =	sld [smem:$0x3FA2]  }
0x30: {  	s3 =	sld [smem:$0x3FA5]  }
0x31: {  	[smem:$0x3FAE] =	sst s10  }
0x32: {  	s10 =	sld [smem:$0x3FAC];
	_ =	sdelay $0x3  }
0x33: {  	p0 =	seq.s32 s10, $0x1;
	s10 =	sld [smem:$0x3FAE];
	_ =	sdelay $0x3  }
0x34: {  	[smem:$0x3FAE] =	sst s10  }
0x35: {  	s10 =	sld [smem:$0x3FAD];
	_ =	sdelay $0x3  }
0x36: {  	p1 =	seq.s32 s10, $0x1;
	s10 =	sld [smem:$0x3FAE];
	_ =	sdelay $0x3  }
0x37: {  	[smem:$0x3FAE] =	sst s10  }
0x38: {  	s10 =	sld [smem:$0x3FAF]  }
0x39: {  	_ = 	snop;
	(pc) =	sbr.ind lr, $3  }
0x3a: {  	_ = 	snop  }
0x3b: {  	_ = 	snop  }
0x3c: {  	p2 =	seq.s32 s10, $0x1;
	s10 =	sld [smem:$0x3FAE]  }
0x3d: {  	_ =	shalt  }
0x3e: {  	_ =	shalt  }
0x3f: {  	_ =	shalt  }
0x40: {  	_ =	shalt  }
0x41: {  	_ =	shalt  }
0x42: {  	_ =	shalt  }
0x43: {  	_ =	shalt  }
0x44: {  	_ =	shalt  }
0x45: {  	_ =	shalt  }
0x46: {  	_ =	shalt  }
0x47: {  	_ =	shalt  }
0x48: {  	_ =	shalt  }
0x49: {  	_ =	shalt  }
0x4a: {  	_ =	shalt  }
0x4b: {  	_ =	shalt  }
0x4c: {  	_ =	shalt  }
0x4d: {  	_ =	shalt  }
0x4e: {  	_ =	shalt  }
0x4f: {  	_ =	shalt  }
0x50: {  	_ =	shalt  }
0x51: {  	_ =	shalt  }
0x52: {  	_ =	shalt  }
0x53: {  	_ =	shalt  }
0x54: {  	_ =	shalt  }
0x55: {  	_ =	shalt  }
0x56: {  	_ =	shalt  }
0x57: {  	_ =	shalt  }
0x58: {  	_ =	shalt  }
0x59: {  	_ =	shalt  }
0x5a: {  	_ =	shalt  }
0x5b: {  	_ =	shalt  }
0x5c: {  	_ =	shalt  }
0x5d: {  	_ =	shalt  }
0x5e: {  	_ =	shalt  }
0x5f: {  	_ =	shalt  }
0x60: {  	_ =	shalt  }
0x61: {  	_ =	shalt  }
0x62: {  	_ =	shalt  }
0x63: {  	_ =	shalt  }
0x64: {  	_ =	shalt  }
0x65: {  	_ =	shalt  }
0x66: {  	_ =	shalt  }
0x67: {  	_ =	shalt  }
0x68: {  	_ =	shalt  }
0x69: {  	_ =	shalt  }
0x6a: {  	_ =	shalt  }
0x6b: {  	_ =	shalt  }
0x6c: {  	_ =	shalt  }
0x6d: {  	_ =	shalt  }
0x6e: {  	_ =	shalt  }
0x6f: {  	_ =	shalt  }
0x70: {  	_ =	shalt  }
0x71: {  	_ =	shalt  }
0x72: {  	_ =	shalt  }
0x73: {  	_ =	shalt  }
0x74: {  	_ =	shalt  }
0x75: {  	_ =	shalt  }
0x76: {  	_ =	shalt  }
0x77: {  	_ =	shalt  }
0x78: {  	_ =	shalt  }
0x79: {  	_ =	shalt  }
0x7a: {  	_ =	shalt  }
0x7b: {  	_ =	shalt  }
0x7c: {  	_ =	shalt  }
0x7d: {  	_ =	shalt  }
0x7e: {  	_ =	shalt  }
0x7f: {  	_ =	shalt  }
0x80: {  	_ =	shalt  }
0x81: {  	_ =	shalt  }
0x82: {  	_ =	shalt  }
0x83: {  	_ =	shalt  }
0x84: {  	_ =	shalt  }
0x85: {  	_ =	shalt  }
0x86: {  	_ =	shalt  }
0x87: {  	_ =	shalt  }
.Lfunc_end0:
.L_simem_size_0:
called_computation.2_lowered:
.L_overlay_start_0:
0x88: {  	s2 =	sld [smem:$0x3FD9]  }
0x89: {  	s3 =	sld [smem:$0x3FFE];
	_ =	sdelay $0x1  }
0x8a: {  	s1 =	srdreg.scid  }
0x8b: {  	s0 =	sand.u32 $0x1, s1  }
0x8c: {  	s16 =	sshll.u32 s0, $0xA;
	s2 =	sadd.s32 s3, s2  }
0x8d: {  	s2 =	sadd.s32 s2, s16  }
0x8e: {  	[smem:$0x3FBA] =	sst s2  }
0x8f: {  	_ = 	snop  }
0x90: {  	(tm) =	ssettm $0x1  }
0x91: {  	s17 =	sld [smem:$0x3FFB];
	_ =	sdelay $0x3  }
0x92: {  	_ =	strace s17  }
0x93: {  	s2 =	sld [smem:$0x3FFC];
	_ =	sdelay $0x3  }
0x94: {  	_ =	strace s2  }
0x95: {  	s2 =	sld [smem:$0x3FFD];
	_ =	sdelay $0x3  }
0x96: {  	_ =	strace s2  }
0x97: {  	_ =	strace $0x8FFFFFFF  }
0x98: {  	s18 =	sld [smem:$0x3FDB];
	_ =	sdelay $0x1  }
0x99: {  	s19 =	simm.s32 $_scs_section_size  }
0x9a: {  	s4 =	simm.s32 $_size__tile_overlayer_lowered;
	s5 =	simm.s32 $_tile_overlayer_lowered  }
0x9b: {  	s22 =	simm.s32 $0x1BFF;
	s21 =	sshll.u32 s5, $0x1;
	s2 =	sadd.s32 s19, s18  }
0x9c: {  	s6 =	simm.s32 $0x0;
	s20 =	sshll.u32 s4, $0x1;
	s4 =	sadd.s32 s21, s2  }
0x9d: {  	[timem:s6], [sflag:s22] =	dma.local [hbm:s4], s20  }
0x9e: {  	_ =	swait.ge [sflag:s22], s20  }
0x9f: {  	s3 =	ssub.s32 $0x0, s20;
	[sflag:s22] =	ssyncset.done $0x0  }
0xa0: {  	[sflag:s22] =	ssyncadd.s32 s3;
	_ =	sdelay $0x1  }
0xa1: {  	s23 =	simm.s32 $0x1B8B  }
0xa2: {  	_ =	swait.ge [sflag:s23], $0x1  }
0xa3: {  	[sflag:s23] =	ssyncset.done $0x0  }
0xa4: {  	s25 =	simm.s32 $0x1B8E;
	s24 =	sld [smem:$0x3FFE];
	[sflag:s23] =	ssyncadd.s32 $0xFFFFFFFF  }
0xa5: {  	s26 =	simm.s32 $execute0_lowered;
	[smem:$0x3FD2] =	sst s25  }
0xa6: {  	s4 =	sshll.u32 s26, $0x1;
	_ =	strace $0x8000004C;
	[dreg:$0x1] =	wrdreg $0xFFFFFFFF  }
0xa7: {  	s28 =	simm.s32 $_size_execute0_lowered;
	s2 =	sadd.s32 s2, s4;
	[dreg:$0x0] =	wrdreg $0x0  }
0xa8: {  	s4 =	sshll.u32 s28, $0x1;
	[dreg:$0x2] =	wrdreg s2  }
0xa9: {  	[dreg:$0x3] =	wrdreg s4  }
0xaa: {  	[dreg:$0x4] =	wrdreg $0xC0  }
0xab: {  	_ =	task [dreg:s6], $0x5FFFF  }
0xac: {  	[dreg:$0x1] =	wrdreg $0xFFFFFFFF  }
0xad: {  	[dreg:$0x0] =	wrdreg $0x60  }
0xae: {  	[dreg:$0x2] =	wrdreg s24  }
0xaf: {  	[dreg:$0x3] =	wrdreg $0x81000  }
0xb0: {  	[dreg:$0x4] =	wrdreg $0x9  }
0xb1: {  	_ =	task.clear_ibuf [dreg:s6], $0x5FFFF;
	_ =	strace $0x9000004C  }
0xb2: {  	s29 =	simm.s32 $0x9;
	_ =	strace $0x8000004E  }
0xb3: {  	_ =	swait.ge [sflag:s29], $0x1  }
0xb4: {  	[sflag:s29] =	ssyncadd.s32 $0xFFFFFFFF  }
0xb5: {  	_ =	strace $0x9000004E  }
0xb6: {  	_ =	sfence  }
0xb7: {  	s30 =	sld [smem:$0x0];
	_ =	sdelay $0x2  }
0xb8: {  	s31 =	sshll.u32 s1, $0xD;
	s1 =	sshrl.u32 s1, $0x2  }
0xb9: {  	s3 =	sand.u32 $0x4000, s31;
	s1 =	sadd.s32 s1, s30  }
0xba: {  	s0 =	sor.u32 s3, s0;
	s1 =	sshll.u32 s1, $0x11  }
0xbb: {  	s0 =	sor.u32 s1, s0  }
0xbc: {  	s0 =	sadd.s32 $0x8F2B, s0  }
0xbd: {  	[sflag:s0] =	ssyncadd.remote.s32 $0x1  }
0xbe: {  	_ =	sfence.sel $0xFFFF  }
0xbf: {  	[dreg:$0x0] =	wrdreg $0xFFFFFFFF;
	(pc) =	sbr.abs _section_cstart, $3  }
0xc0: {  	[dreg:$0x1] =	wrdreg $0xFFFFFFFF  }
0xc1: {  	_ =	task.clear_ibuf [dreg:s6], $0x2FFFF;
	_ =	strace $0x9FFFFFFF  }
0xc2: {  	(tm) =	ssettm $0x7FFFFFFF  }
0xc3: {  	_ =	shalt  }
tec
execute0_lowered:
.L_overlay_start_1:
0x0: {  	(tag) =	ssettag $0x1  }
0x1: {  	s5 =	rddreg [dreg:$0x0]  }
0x2: {  	s0 =	srdreg.scid;
	s1 =	rddreg [dreg:$0x1]  }
0x3: {  	s3 =	simm.s32 $0x0;
	s2 =	stileid.u32;
	s14 =	simm.s32 $0x4100  }
0x4: {  	s15 =	simm.s32 $0x2;
	s16 =	simm.s32 $0x80;
	s8 =	smul.u32 $0x14000, s2  }
0x5: {  	s17 =	simm.s32 $0x100;
	s18 =	simm.s32 $0x1;
	s30 =	smul.u32 $0x50000, s2  }
0x6: {  	s6 =	sand.u32 $0x1, s0;
	s0 =	rddreg [dreg:$0x2];
	s12 =	smul.u32 $0x4F0, s2  }
0x7: {  	s21 =	simm.s32 $0x0;
	[smem:$0x7FF] =	sst s3;
	s4 =	smul.u32 $0x4F00, s6  }
0x8: {  	s19 =	sshll.u32 s2, $0x6;
	s7 =	smul.u32 $0x140000, s6;
	s6 =	ssub.s32 $0x2, s6  }
0x9: {  	_ =	strace $0x8000004D;
	s19 =	sor.u32 $0x1C02, s19;
	s31 =	sshrl.u32 s6, $0x1  }
0xa: {  	s11 =	sadd.s32 s4, s5;
	s7 =	sadd.s32 s8, s7;
	s4 =	sadd.s32 $0x16E00, s5  }
0xb: {  	s8 =	sshrl.u32 s30, $0x2;
	s9 =	ssub.s32 s6, s31;
	s7 =	sshrl.u32 s7, $0x3  }
0xc: {  	s13 =	sadd.s32 s12, s11;
	s7 =	sadd.s32 s7, s5;
	s5 =	sadd.s32 s8, s1  }
0xd: {  	s12 =	sadd.s32 $0xD000, s13;
	s13 =	sadd.s32 $0x3200, s13;
	s6 =	sadd.s32 $0x3E000, s7  }
0xe: {  	s7 =	smax.u32 s9, $0x1;
	s8 =	sadd.s32 $0x4000, s5;
	s9 =	sadd.s32 $0x8000, s5  }
0xf: {  	v0 =	vimm.f32 $0.0e+00;
	s10 =	sadd.s32 $0xC000, s5;
	s11 =	sadd.s32 $0x10000, s5;
	s20 =	sshrl.u32 s5, $0x3  }
.LBB2_1:
0x10: {  	s22 =	simm.s32 $0x0;
	s23 =	simm.s32 $0x200  }
.LBB2_2:
0x11: {  	p0 =	sne.s32 s23, $0xFE00;
	[tilespmem:s22+$0x4170] =	vst v0  }
0x12: {  	[tilespmem:s22+$0x4100] =	vst v0  }
0x13: {  	[tilespmem:s22+$0x4110] =	vst v0  }
.Ltmp0:
0x14: {  	[tilespmem:s22+$0x4120] =	vst v0;
	(pc) =	sbr.rel @p0 .LBB2_2-.Ltmp0, $4  }
0x15: {  	[tilespmem:s22+$0x4130] =	vst v0  }
0x16: {  	[tilespmem:s22+$0x4140] =	vst v0  }
0x17: {  	[tilespmem:s22+$0x4150] =	vst v0  }
0x18: {  	[tilespmem:s22+$0x4160] =	vst v0;
	s22 =	sshra.s32 s23, $0x2;
	s23 =	sadd.s32 $0x200, s23  }
0x19: {  	[tilespmem:s22+$0x4170] =	vst v0  }
0x1a: {  	[tilespmem:s22+$0x4100] =	vst v0  }
0x1b: {  	[tilespmem:s22+$0x4110] =	vst v0  }
0x1c: {  	[tilespmem:s22+$0x4120] =	vst v0  }
0x1d: {  	[tilespmem:s22+$0x4130] =	vst v0  }
0x1e: {  	[tilespmem:s22+$0x4140] =	vst v0  }
0x1f: {  	[tilespmem:s22+$0x4150] =	vst v0  }
0x20: {  	[tilespmem:s22+$0x4160] =	vst v0  }
0x21: {  	[spmem:s5] =	stream.linear.scatter [tilespmem:s14], [sflag:$0x2], $0x4000, $0x38;
	[tilespmem:$0x1C100] =	vst v63  }
0x22: {  	_ =	swait.ge [sflag:s15], $0x4000  }
0x23: {  	[sflag:s15] =	ssyncset.done $0x0  }
0x24: {  	[sflag:s15] =	ssyncadd.s32 $0xFFFFC000  }
0x25: {  	[spmem:s8] =	stream.linear.scatter [tilespmem:s14], [sflag:$0x2], $0x4000, $0x38;
	[tilespmem:$0x1C100] =	vst v63  }
0x26: {  	_ =	swait.ge [sflag:s15], $0x4000  }
0x27: {  	[sflag:s15] =	ssyncset.done $0x0  }
0x28: {  	[sflag:s15] =	ssyncadd.s32 $0xFFFFC000  }
0x29: {  	[spmem:s9] =	stream.linear.scatter [tilespmem:s14], [sflag:$0x2], $0x4000, $0x38;
	[tilespmem:$0x1C100] =	vst v63  }
0x2a: {  	_ =	swait.ge [sflag:s15], $0x4000  }
0x2b: {  	[sflag:s15] =	ssyncset.done $0x0  }
0x2c: {  	[sflag:s15] =	ssyncadd.s32 $0xFFFFC000  }
0x2d: {  	[spmem:s10] =	stream.linear.scatter [tilespmem:s14], [sflag:$0x2], $0x4000, $0x38;
	[tilespmem:$0x1C100] =	vst v63  }
0x2e: {  	_ =	swait.ge [sflag:s15], $0x4000  }
0x2f: {  	[sflag:s15] =	ssyncset.done $0x0  }
0x30: {  	[sflag:s15] =	ssyncadd.s32 $0xFFFFC000  }
0x31: {  	[spmem:s11] =	stream.linear.scatter [tilespmem:s14], [sflag:$0x2], $0x4000, $0x38;
	[tilespmem:$0x1C100] =	vst v63  }
0x32: {  	_ =	swait.ge [sflag:s15], $0x4000  }
0x33: {  	[sflag:s15] =	ssyncset.done $0x0  }
0x34: {  	[sflag:s15] =	ssyncadd.s32 $0xFFFFC000  }
0x35: {  	s30 =	sadd.s32 $0x0, s13;
	[bflag:$0x0] =	sbarrier.arrive $0xFFFF  }
0x36: {  	[tilespmem:s3], [sflag:$0x2] =	stream.linear.gather [hbm4b:s30+s3], $0x80, $0x38;
	[tilespmem:$0x1C100] =	vst v63  }
0x37: {  	_ =	swait.ge [sflag:s15], $0x80  }
0x38: {  	[sflag:s15] =	ssyncset.done $0x0  }
0x39: {  	s31 =	sadd.s32 $0x0, s12;
	[sflag:s15] =	ssyncadd.s32 $0xFFFFFF80  }
0x3a: {  	[tilespmem:s16], [sflag:$0x2] =	stream.linear.gather [hbm4b:s31+s3], $0x80, $0x38;
	[tilespmem:$0x1C100] =	vst v63  }
0x3b: {  	_ =	swait.ge [sflag:s15], $0x80  }
0x3c: {  	[sflag:s15] =	ssyncset.done $0x0  }
0x3d: {  	[sflag:s15] =	ssyncadd.s32 $0xFFFFFF80  }
0x3e: {  	[tilespmem:s17], [sflag:$0x1] =	stream.indirect.gather [hbm4b:s4+s16], $0x80, s3, s16, $0xb8;
	[tilespmem:$0x1C100] =	vst v63  }
0x3f: {  	_ =	swait.ge [sflag:s18], $0x4000  }
0x40: {  	[sflag:s18] =	ssyncset.done $0x0  }
0x41: {  	[sflag:s18] =	ssyncadd.s32 $0xFFFFC000  }
0x42: {  	[spmem:s1] =	stream.indirect.scatter.add.f32 [tilespmem:s17], [sflag:$0x2], $0x80, s16, s16, $0xb8;
	[tilespmem:$0x1C100] =	vst v63  }
0x43: {  	_ =	swait.ge [sflag:s15], $0x4000  }
0x44: {  	s22 =	simm.s32 $0x10;
	s23 =	simm.s32 $0x20;
	[sflag:s15] =	ssyncset.done $0x0  }
.LBB2_4:
0x45: {  	s24 =	sadd.s32 s22, s13  }
0x46: {  	[sflag:s15] =	ssyncadd.s32 $0xFFFFC000;
	s25 =	smov.u32 s23;
	s26 =	sadd.s32 $0x10, s23  }
0x47: {  	[tilespmem:s3], [sflag:$0x2] =	stream.linear.gather [hbm4b:s24+s3], $0x80, $0x38;
	[tilespmem:$0x1C100] =	vst v63  }
0x48: {  	p0 =	sne.s32 s23, $0x4E0;
	_ =	swait.ge [sflag:s15], $0x80  }
0x49: {  	[sflag:s15] =	ssyncset.done $0x0  }
0x4a: {  	s23 =	sadd.s32 s22, s12;
	s22 =	smov.u32 s25;
	[sflag:s15] =	ssyncadd.s32 $0xFFFFFF80  }
0x4b: {  	[tilespmem:s16], [sflag:$0x2] =	stream.linear.gather [hbm4b:s23+s3], $0x80, $0x38;
	[tilespmem:$0x1C100] =	vst v63  }
0x4c: {  	_ =	swait.ge [sflag:s15], $0x80  }
0x4d: {  	[sflag:s15] =	ssyncset.done $0x0  }
0x4e: {  	[sflag:s15] =	ssyncadd.s32 $0xFFFFFF80  }
0x4f: {  	[tilespmem:s17], [sflag:$0x1] =	stream.indirect.gather [hbm4b:s4+s16], $0x80, s3, s16, $0xb8;
	[tilespmem:$0x1C100] =	vst v63  }
0x50: {  	_ =	swait.ge [sflag:s18], $0x4000  }
.Ltmp1:
0x51: {  	[sflag:s18] =	ssyncset.done $0x0;
	(pc) =	sbr.rel @p0 .LBB2_4-.Ltmp1, $4  }
0x52: {  	[sflag:s18] =	ssyncadd.s32 $0xFFFFC000  }
0x53: {  	[spmem:s1] =	stream.indirect.scatter.add.f32 [tilespmem:s17], [sflag:$0x2], $0x80, s16, s16, $0xb8;
	[tilespmem:$0x1C100] =	vst v63  }
0x54: {  	_ =	swait.ge [sflag:s15], $0x4000  }
0x55: {  	s23 =	smov.u32 s26;
	[sflag:s15] =	ssyncset.done $0x0  }
0x56: {  	s23 =	sadd.s32 s22, s13;
	[sflag:s15] =	ssyncadd.s32 $0xFFFFC000  }
0x57: {  	[tilespmem:s3], [sflag:$0x2] =	stream.linear.gather [hbm4b:s23+s3], $0x80, $0x38;
	[tilespmem:$0x1C100] =	vst v63  }
0x58: {  	_ =	swait.ge [sflag:s15], $0x80  }
0x59: {  	[sflag:s15] =	ssyncset.done $0x0  }
0x5a: {  	s31 =	sadd.s32 s22, s12;
	[sflag:s15] =	ssyncadd.s32 $0xFFFFFF80  }
0x5b: {  	[tilespmem:s16], [sflag:$0x2] =	stream.linear.gather [hbm4b:s31+s3], $0x80, $0x38;
	[tilespmem:$0x1C100] =	vst v63  }
0x5c: {  	_ =	swait.ge [sflag:s15], $0x80  }
0x5d: {  	[sflag:s15] =	ssyncset.done $0x0  }
0x5e: {  	[sflag:s15] =	ssyncadd.s32 $0xFFFFFF80  }
0x5f: {  	[tilespmem:s17], [sflag:$0x1] =	stream.indirect.gather [hbm4b:s4+s16], $0x80, s3, s16, $0xb8;
	[tilespmem:$0x1C100] =	vst v63  }
0x60: {  	_ =	swait.ge [sflag:s18], $0x4000  }
0x61: {  	[sflag:s18] =	ssyncset.done $0x0  }
0x62: {  	[sflag:s18] =	ssyncadd.s32 $0xFFFFC000  }
0x63: {  	[spmem:s1] =	stream.indirect.scatter.add.f32 [tilespmem:s17], [sflag:$0x2], $0x80, s16, s16, $0xb8;
	[tilespmem:$0x1C100] =	vst v63  }
0x64: {  	_ =	swait.ge [sflag:s15], $0x4000  }
0x65: {  	s21 =	sadd.s32 $0x1, s21;
	[sflag:s15] =	ssyncset.done $0x0  }
0x66: {  	p0 =	sne.s32 s21, s7;
	[sflag:s15] =	ssyncadd.s32 $0xFFFFC000  }
.Ltmp2:
0x67: {  	[bflag:$0x0] =	sbarrier.arrive $0xFFFF;
	(pc) =	sbr.rel @p0 .LBB2_1-.Ltmp2, $4  }
0x68: {  	[hbm:s6], [sflag:s19] =	dma.local [spmem:s20], $0x2800  }
0x69: {  	_ =	swait.ge [sflag:s15], $0x2800  }
0x6a: {  	[sflag:s15] =	ssyncset.done $0x0  }
0x6b: {  	[sflag:s15] =	ssyncadd.s32 $0xFFFFD800  }
0x6c: {  	_ =	sfence.sel $0x180000  }
0x6d: {  	[bflag:$0x0] =	sbarrier.arrive $0xFFFF  }
0x6e: {  	p0 =	sne.s32 s2, $0x0;
	_ =	strace $0x9000004D  }
0x6f: {  	s0 =	sadd.s32 @!p0 $0x100000, s0;
	[bflag:$0x2] =	sbarrier.arrive $0xFFFF  }
0x70: {  	[sflag:s0] =	ssyncadd.tile.s32 @!p0 $0x1;
	_ =	shalt  }
.Lfunc_end2:
_tile_overlayer_lowered:
.L_overlay_start_2:
0x71: {  	(tag) =	ssettag $0x2  }
0x72: {  	s0 =	rddreg [dreg:$0x0];
	s2 =	stileid.u32  }
0x73: {  	s1 =	rddreg [dreg:$0x1];
	p0 =	sne.s32 s2, $0x0  }
0x74: {  	s3 =	rddreg [dreg:$0x2];
	[bflag:$0x3] =	sbarrier.arrive $0xFFFF;
	s2 =	simm.s32 @!p0 $0x1C02  }
0x75: {  	[timem:s3], [sflag:s2] =	dma.local @!p0 [hbm:s0], s1  }
0x76: {  	s0 =	simm.s32 @!p0 $0x2  }
0x77: {  	_ =	swait.ge @!p0 [sflag:s0], s1  }
0x78: {  	s1 =	ssub.s32 @!p0 $0x0, s1;
	[sflag:s0] =	ssyncset.done @!p0 $0x0  }
0x79: {  	[sflag:s0] =	ssyncadd.s32 @!p0 s1  }
0x7a: {  	[bflag:$0x3] =	sbarrier.arrive $0xFFFF  }
0x7b: {  	_ =	shalt  }

// kernel: kernel.9.cloned.1.call-start
scs
__scs_entry_jumppad:
0x0: {  	(pc) =	sbr.rel $0x88, $3  }
0x1: {  	(tag) =	ssettag $0x0;
	lr =	simm.s32 $0x1  }
0x2: {  	[smem:$0x3F93] =	sst lr;
	_ =	strace $0xD0000000  }
0x3: {  	_ = 	snop  }
0x4: {  	_ = 	snop  }
0x5: {  	_ = 	snop  }
0x6: {  	_ = 	snop  }
0x7: {  	_ = 	snop  }
__scs_overlays_trampoline_lowered:
0x8: {  	[smem:$0x3FA2] =	sst s0  }
0x9: {  	[smem:$0x3FA3] =	sst s1  }
0xa: {  	[smem:$0x3FA4] =	sst s2  }
0xb: {  	[smem:$0x3FA5] =	sst s3  }
0xc: {  	[smem:$0x3FA6] =	sst s4  }
0xd: {  	[smem:$0x3FA7] =	sst s5  }
0xe: {  	[smem:$0x3FA8] =	sst s6  }
0xf: {  	[smem:$0x3FA9] =	sst s7  }
0x10: {  	[smem:$0x3FAA] =	sst s8  }
0x11: {  	[smem:$0x3FAB] =	sst s9;
	s0 =	simm.s32 @!p0 $0x0  }
0x12: {  	s1 =	sld [smem:$0x3F91];
	s0 =	simm.s32 @p0 $0x1  }
0x13: {  	[smem:$0x3FAC] =	sst s0;
	s0 =	simm.s32 @!p1 $0x0  }
0x14: {  	s2 =	sld [smem:$0x3F90];
	s0 =	simm.s32 @p1 $0x1  }
0x15: {  	[smem:$0x3FAD] =	sst s0;
	s0 =	simm.s32 @!p2 $0x0  }
0x16: {  	s3 =	sld [smem:$0x3FDB];
	s0 =	simm.s32 @p2 $0x1  }
0x17: {  	s4 =	simm.s32 $0x1BF5;
	[smem:$0x3FAF] =	sst s0  }
0x18: {  	s0 =	sld [smem:$0x3F92];
	_ =	swait.ge [sflag:s4], $0x0  }
0x19: {  	s7 =	sld [smem:$0x3F93]  }
0x1a: {  	s8 =	sadd.s32 $0xFFFFE003, lr  }
0x1b: {  	s9 =	sadd.s32 $0xFFFFFEF7, lr;
	s5 =	simm.s32 $0xFFFFFFFF;
	p2 =	slt.u32 s8, $0xFFFFF086  }
0x1c: {  	p1 =	slt.u32 s9, $0xF7A;
	s5 =	simm.s32 @!p2 $0x0  }
0x1d: {  	s5 =	simm.s32 @p1 $0x1;
	p0 =	seq.s32 s7, s2  }
0x1e: {  	s7 =	smul.u32 @!p0 $0xF7A, s2;
	p2 =	seq.s32 @!p0 s5, $0x0  }
0x1f: {  	s9 =	smul.u32 $0xF7A, s1;
	s8 =	simm.s32 @!p0 $0x1BF5;
	p2 =	por !p2, p0  }
0x20: {  	[sflag:s8] =	ssyncset.s32 @!p0 $0xFFFFF086;
	s6 =	sadd.s32 @!p0 s3, s7;
	s7 =	simm.s32 @!p0 $0x108  }
0x21: {  	s3 =	sadd.s32 s3, s9;
	s6 =	sadd.s32 @!p0 $0x88, s6;
	s7 =	simm.s32 @p2 $0x1082  }
0x22: {  	[simem:s7], [sflag:s8] =	dma.local @!p0 [hbm:s6], $0xF7A  }
0x23: {  	s9 =	sor.u32 $0xD0000000, s2;
	s6 =	simm.s32 $0x108;
	_ =	swait.ge @!p0 [sflag:s8], $0x0  }
0x24: {  	s3 =	sadd.s32 $0x88, s3;
	s6 =	simm.s32 @!p1 $0x1082;
	[sflag:s4] =	ssyncset.s32 $0xFFFFF086  }
0x25: {  	[simem:s6], [sflag:s4] =	dma.local [hbm:s3], $0xF7A  }
0x26: {  	[smem:$0x3F93] =	sst s1;
	(tag) =	ssettag s2;
	_ =	strace s9  }
0x27: {  	s1 =	sld [smem:$0x3FA3]  }
0x28: {  	s2 =	sld [smem:$0x3FA4]  }
0x29: {  	s4 =	sld [smem:$0x3FA6]  }
0x2a: {  	p0 =	seq.s32 s5, $0x0;
	s5 =	sld [smem:$0x3FA7]  }
0x2b: {  	s6 =	sld [smem:$0x3FA8]  }
0x2c: {  	s7 =	sld [smem:$0x3FA9]  }
0x2d: {  	s3 =	simm.s32 $0x108;
	s8 =	sld [smem:$0x3FAA]  }
0x2e: {  	s3 =	simm.s32 @!p0 $0x1082;
	s9 =	sld [smem:$0x3FAB]  }
0x2f: {  	lr =	sadd.s32 s0, s3;
	s0 =	sld [smem:$0x3FA2]  }
0x30: {  	s3 =	sld [smem:$0x3FA5]  }
0x31: {  	[smem:$0x3FAE] =	sst s10  }
0x32: {  	s10 =	sld [smem:$0x3FAC];
	_ =	sdelay $0x3  }
0x33: {  	p0 =	seq.s32 s10, $0x1;
	s10 =	sld [smem:$0x3FAE];
	_ =	sdelay $0x3  }
0x34: {  	[smem:$0x3FAE] =	sst s10  }
0x35: {  	s10 =	sld [smem:$0x3FAD];
	_ =	sdelay $0x3  }
0x36: {  	p1 =	seq.s32 s10, $0x1;
	s10 =	sld [smem:$0x3FAE];
	_ =	sdelay $0x3  }
0x37: {  	[smem:$0x3FAE] =	sst s10  }
0x38: {  	s10 =	sld [smem:$0x3FAF]  }
0x39: {  	_ = 	snop;
	(pc) =	sbr.ind lr, $3  }
0x3a: {  	_ = 	snop  }
0x3b: {  	_ = 	snop  }
0x3c: {  	p2 =	seq.s32 s10, $0x1;
	s10 =	sld [smem:$0x3FAE]  }
0x3d: {  	_ =	shalt  }
0x3e: {  	_ =	shalt  }
0x3f: {  	_ =	shalt  }
0x40: {  	_ =	shalt  }
0x41: {  	_ =	shalt  }
0x42: {  	_ =	shalt  }
0x43: {  	_ =	shalt  }
0x44: {  	_ =	shalt  }
0x45: {  	_ =	shalt  }
0x46: {  	_ =	shalt  }
0x47: {  	_ =	shalt  }
0x48: {  	_ =	shalt  }
0x49: {  	_ =	shalt  }
0x4a: {  	_ =	shalt  }
0x4b: {  	_ =	shalt  }
0x4c: {  	_ =	shalt  }
0x4d: {  	_ =	shalt  }
0x4e: {  	_ =	shalt  }
0x4f: {  	_ =	shalt  }
0x50: {  	_ =	shalt  }
0x51: {  	_ =	shalt  }
0x52: {  	_ =	shalt  }
0x53: {  	_ =	shalt  }
0x54: {  	_ =	shalt  }
0x55: {  	_ =	shalt  }
0x56: {  	_ =	shalt  }
0x57: {  	_ =	shalt  }
0x58: {  	_ =	shalt  }
0x59: {  	_ =	shalt  }
0x5a: {  	_ =	shalt  }
0x5b: {  	_ =	shalt  }
0x5c: {  	_ =	shalt  }
0x5d: {  	_ =	shalt  }
0x5e: {  	_ =	shalt  }
0x5f: {  	_ =	shalt  }
0x60: {  	_ =	shalt  }
0x61: {  	_ =	shalt  }
0x62: {  	_ =	shalt  }
0x63: {  	_ =	shalt  }
0x64: {  	_ =	shalt  }
0x65: {  	_ =	shalt  }
0x66: {  	_ =	shalt  }
0x67: {  	_ =	shalt  }
0x68: {  	_ =	shalt  }
0x69: {  	_ =	shalt  }
0x6a: {  	_ =	shalt  }
0x6b: {  	_ =	shalt  }
0x6c: {  	_ =	shalt  }
0x6d: {  	_ =	shalt  }
0x6e: {  	_ =	shalt  }
0x6f: {  	_ =	shalt  }
0x70: {  	_ =	shalt  }
0x71: {  	_ =	shalt  }
0x72: {  	_ =	shalt  }
0x73: {  	_ =	shalt  }
0x74: {  	_ =	shalt  }
0x75: {  	_ =	shalt  }
0x76: {  	_ =	shalt  }
0x77: {  	_ =	shalt  }
0x78: {  	_ =	shalt  }
0x79: {  	_ =	shalt  }
0x7a: {  	_ =	shalt  }
0x7b: {  	_ =	shalt  }
0x7c: {  	_ =	shalt  }
0x7d: {  	_ =	shalt  }
0x7e: {  	_ =	shalt  }
0x7f: {  	_ =	shalt  }
0x80: {  	_ =	shalt  }
0x81: {  	_ =	shalt  }
0x82: {  	_ =	shalt  }
0x83: {  	_ =	shalt  }
0x84: {  	_ =	shalt  }
0x85: {  	_ =	shalt  }
0x86: {  	_ =	shalt  }
0x87: {  	_ =	shalt  }
.Lfunc_end0:
.L_simem_size_0:
called_computation_lowered:
.L_overlay_start_0:
0x88: {  	s2 =	sld [smem:$0x3FD9]  }
0x89: {  	s3 =	sld [smem:$0x3FFE];
	_ =	sdelay $0x1  }
0x8a: {  	s1 =	srdreg.scid  }
0x8b: {  	s0 =	sand.u32 $0x1, s1  }
0x8c: {  	s17 =	sshll.u32 s0, $0xA;
	s2 =	sadd.s32 s3, s2  }
0x8d: {  	s2 =	sadd.s32 s2, s17  }
0x8e: {  	[smem:$0x3FBA] =	sst s2  }
0x8f: {  	_ = 	snop  }
0x90: {  	s2 =	sld [smem:$0x3FC9];
	(tm) =	ssettm $0x1  }
0x91: {  	s18 =	sld [smem:$0x3FFB];
	_ =	sdelay $0x3  }
0x92: {  	_ =	strace s18  }
0x93: {  	s3 =	sld [smem:$0x3FFC];
	_ =	sdelay $0x3  }
0x94: {  	_ =	strace s3  }
0x95: {  	s3 =	sld [smem:$0x3FFD];
	_ =	sdelay $0x3  }
0x96: {  	_ =	strace s3  }
0x97: {  	_ =	strace $0x8FFFFFFF  }
0x98: {  	s19 =	sld [smem:$0x3FDB];
	_ =	sdelay $0x1  }
0x99: {  	s4 =	simm.s32 $_scs_section_size  }
0x9a: {  	s5 =	simm.s32 $_size__tile_overlayer_lowered;
	s6 =	simm.s32 $_tile_overlayer_lowered  }
0x9b: {  	s22 =	simm.s32 $0x1BFF;
	s21 =	sshll.u32 s6, $0x1;
	s3 =	sadd.s32 s4, s19  }
0x9c: {  	s7 =	simm.s32 $0x0;
	s20 =	sshll.u32 s5, $0x1;
	s5 =	sadd.s32 s21, s3  }
0x9d: {  	[timem:s7], [sflag:s22] =	dma.local [hbm:s5], s20  }
0x9e: {  	_ =	swait.ge [sflag:s22], s20  }
0x9f: {  	s4 =	ssub.s32 $0x0, s20;
	[sflag:s22] =	ssyncset.done $0x0  }
0xa0: {  	[sflag:s22] =	ssyncadd.s32 s4;
	_ =	sdelay $0x1  }
0xa1: {  	s23 =	simm.s32 $0x1B8B  }
0xa2: {  	_ =	swait.ge [sflag:s23], $0x1  }
0xa3: {  	[sflag:s23] =	ssyncset.done $0x0  }
0xa4: {  	s25 =	simm.s32 $0x1B8E;
	s24 =	sld [smem:$0x3FFE];
	[sflag:s23] =	ssyncadd.s32 $0xFFFFFFFF  }
0xa5: {  	s26 =	simm.s32 $execute0_lowered;
	[smem:$0x3FD2] =	sst s25  }
0xa6: {  	s5 =	sshll.u32 s26, $0x1;
	_ =	strace $0x80000046;
	[dreg:$0x1] =	wrdreg $0xFFFFFFFF  }
0xa7: {  	s28 =	simm.s32 $_size_execute0_lowered;
	s3 =	sadd.s32 s3, s5;
	[dreg:$0x0] =	wrdreg $0x0  }
0xa8: {  	s5 =	sshll.u32 s28, $0x1;
	[dreg:$0x2] =	wrdreg s3  }
0xa9: {  	[dreg:$0x3] =	wrdreg s5  }
0xaa: {  	[dreg:$0x4] =	wrdreg $0xC0  }
0xab: {  	_ =	task [dreg:s7], $0x5FFFF  }
0xac: {  	[dreg:$0x1] =	wrdreg $0xFFFFFFFF  }
0xad: {  	[dreg:$0x0] =	wrdreg $0x60  }
0xae: {  	[dreg:$0x2] =	wrdreg s24  }
0xaf: {  	[dreg:$0x3] =	wrdreg s2  }
0xb0: {  	[dreg:$0x4] =	wrdreg $0x81000  }
0xb1: {  	[dreg:$0x5] =	wrdreg $0x9  }
0xb2: {  	_ =	task.clear_ibuf [dreg:s7], $0x6FFFF;
	_ =	strace $0x90000046  }
0xb3: {  	s29 =	simm.s32 $0x9;
	_ =	strace $0x80000048  }
0xb4: {  	_ =	swait.ge [sflag:s29], $0x1  }
0xb5: {  	[sflag:s29] =	ssyncadd.s32 $0xFFFFFFFF  }
0xb6: {  	_ =	strace $0x90000048  }
0xb7: {  	_ =	sfence  }
0xb8: {  	s30 =	sld [smem:$0x0];
	_ =	sdelay $0x2  }
0xb9: {  	s31 =	sshll.u32 s1, $0xD;
	s1 =	sshrl.u32 s1, $0x2  }
0xba: {  	s3 =	sand.u32 $0x4000, s31;
	s1 =	sadd.s32 s1, s30  }
0xbb: {  	s0 =	sor.u32 s3, s0;
	s1 =	sshll.u32 s1, $0x11  }
0xbc: {  	s0 =	sor.u32 s1, s0  }
0xbd: {  	s0 =	sadd.s32 $0x8F2B, s0  }
0xbe: {  	[sflag:s0] =	ssyncadd.remote.s32 $0x1  }
0xbf: {  	_ =	sfence.sel $0xFFFF  }
0xc0: {  	[dreg:$0x0] =	wrdreg $0xFFFFFFFF;
	(pc) =	sbr.abs _section_cstart, $3  }
0xc1: {  	[dreg:$0x1] =	wrdreg $0xFFFFFFFF  }
0xc2: {  	_ =	task.clear_ibuf [dreg:s7], $0x2FFFF;
	_ =	strace $0x9FFFFFFF  }
0xc3: {  	(tm) =	ssettm $0x7FFFFFFF  }
tec
execute0_lowered:
.L_overlay_start_1:
0x0: {  	(tag) =	ssettag $0x1  }
0x1: {  	s5 =	rddreg [dreg:$0x0]  }
0x2: {  	s2 =	rddreg [dreg:$0x1];
	s0 =	srdreg.scid  }
0x3: {  	s3 =	rddreg [dreg:$0x2];
	s1 =	stileid.u32;
	s4 =	simm.s32 $0x0  }
0x4: {  	s14 =	simm.s32 $0x4100;
	s15 =	simm.s32 $0x2;
	s8 =	smul.u32 $0x14000, s1  }
0x5: {  	s16 =	simm.s32 $0x80;
	s17 =	simm.s32 $0x100;
	s29 =	smul.u32 $0x50000, s1  }
0x6: {  	s18 =	simm.s32 $0x1;
	s6 =	sand.u32 $0x1, s0;
	s12 =	smul.u32 $0x4F0, s1  }
0x7: {  	s21 =	simm.s32 $0x0;
	s0 =	rddreg [dreg:$0x3];
	s7 =	smul.u32 $0x140000, s6  }
0x8: {  	[smem:$0x7FF] =	sst s4;
	s19 =	sshll.u32 s1, $0x6;
	s9 =	smul.u32 $0x4F00, s6  }
0x9: {  	_ =	strace $0x80000047;
	s6 =	ssub.s32 $0x2, s6;
	s19 =	sor.u32 $0x1C02, s19  }
0xa: {  	s30 =	sshrl.u32 s6, $0x1;
	s7 =	sadd.s32 s8, s7;
	s11 =	sadd.s32 s9, s5  }
0xb: {  	s8 =	sshrl.u32 s29, $0x2;
	s31 =	ssub.s32 s6, s30;
	s7 =	sshrl.u32 s7, $0x3  }
0xc: {  	s13 =	sadd.s32 s12, s11;
	s7 =	sadd.s32 s7, s5;
	s5 =	sadd.s32 s8, s3  }
0xd: {  	s12 =	sadd.s32 $0xD000, s13;
	s13 =	sadd.s32 $0x3200, s13;
	s6 =	sadd.s32 $0x16E00, s7  }
0xe: {  	s7 =	smax.u32 s31, $0x1;
	s8 =	sadd.s32 $0x4000, s5;
	s9 =	sadd.s32 $0x8000, s5  }
0xf: {  	v0 =	vimm.f32 $0.0e+00;
	s10 =	sadd.s32 $0xC000, s5;
	s11 =	sadd.s32 $0x10000, s5;
	s20 =	sshrl.u32 s5, $0x3  }
.LBB2_1:
0x10: {  	s22 =	simm.s32 $0x0;
	s23 =	simm.s32 $0x200  }
.LBB2_2:
0x11: {  	p0 =	sne.s32 s23, $0xFE00;
	[tilespmem:s22+$0x4170] =	vst v0  }
0x12: {  	[tilespmem:s22+$0x4100] =	vst v0  }
0x13: {  	[tilespmem:s22+$0x4110] =	vst v0  }
.Ltmp0:
0x14: {  	[tilespmem:s22+$0x4120] =	vst v0;
	(pc) =	sbr.rel @p0 .LBB2_2-.Ltmp0, $4  }
0x15: {  	[tilespmem:s22+$0x4130] =	vst v0  }
0x16: {  	[tilespmem:s22+$0x4140] =	vst v0  }
0x17: {  	[tilespmem:s22+$0x4150] =	vst v0  }
0x18: {  	[tilespmem:s22+$0x4160] =	vst v0;
	s22 =	sshra.s32 s23, $0x2;
	s23 =	sadd.s32 $0x200, s23  }
0x19: {  	[tilespmem:s22+$0x4170] =	vst v0  }
0x1a: {  	[tilespmem:s22+$0x4100] =	vst v0  }
0x1b: {  	[tilespmem:s22+$0x4110] =	vst v0  }
0x1c: {  	[tilespmem:s22+$0x4120] =	vst v0  }
0x1d: {  	[tilespmem:s22+$0x4130] =	vst v0  }
0x1e: {  	[tilespmem:s22+$0x4140] =	vst v0  }
0x1f: {  	[tilespmem:s22+$0x4150] =	vst v0  }
0x20: {  	[tilespmem:s22+$0x4160] =	vst v0  }
0x21: {  	[spmem:s5] =	stream.linear.scatter [tilespmem:s14], [sflag:$0x2], $0x4000, $0x38;
	[tilespmem:$0x1C100] =	vst v63  }
0x22: {  	_ =	swait.ge [sflag:s15], $0x4000  }
0x23: {  	[sflag:s15] =	ssyncset.done $0x0  }
0x24: {  	[sflag:s15] =	ssyncadd.s32 $0xFFFFC000  }
0x25: {  	[spmem:s8] =	stream.linear.scatter [tilespmem:s14], [sflag:$0x2], $0x4000, $0x38;
	[tilespmem:$0x1C100] =	vst v63  }
0x26: {  	_ =	swait.ge [sflag:s15], $0x4000  }
0x27: {  	[sflag:s15] =	ssyncset.done $0x0  }
0x28: {  	[sflag:s15] =	ssyncadd.s32 $0xFFFFC000  }
0x29: {  	[spmem:s9] =	stream.linear.scatter [tilespmem:s14], [sflag:$0x2], $0x4000, $0x38;
	[tilespmem:$0x1C100] =	vst v63  }
0x2a: {  	_ =	swait.ge [sflag:s15], $0x4000  }
0x2b: {  	[sflag:s15] =	ssyncset.done $0x0  }
0x2c: {  	[sflag:s15] =	ssyncadd.s32 $0xFFFFC000  }
0x2d: {  	[spmem:s10] =	stream.linear.scatter [tilespmem:s14], [sflag:$0x2], $0x4000, $0x38;
	[tilespmem:$0x1C100] =	vst v63  }
0x2e: {  	_ =	swait.ge [sflag:s15], $0x4000  }
0x2f: {  	[sflag:s15] =	ssyncset.done $0x0  }
0x30: {  	[sflag:s15] =	ssyncadd.s32 $0xFFFFC000  }
0x31: {  	[spmem:s11] =	stream.linear.scatter [tilespmem:s14], [sflag:$0x2], $0x4000, $0x38;
	[tilespmem:$0x1C100] =	vst v63  }
0x32: {  	_ =	swait.ge [sflag:s15], $0x4000  }
0x33: {  	[sflag:s15] =	ssyncset.done $0x0  }
0x34: {  	[sflag:s15] =	ssyncadd.s32 $0xFFFFC000  }
0x35: {  	s30 =	sadd.s32 $0x0, s13;
	[bflag:$0x0] =	sbarrier.arrive $0xFFFF  }
0x36: {  	[tilespmem:s4], [sflag:$0x2] =	stream.linear.gather [hbm4b:s30+s4], $0x80, $0x38;
	[tilespmem:$0x1C100] =	vst v63  }
0x37: {  	_ =	swait.ge [sflag:s15], $0x80  }
0x38: {  	[sflag:s15] =	ssyncset.done $0x0  }
0x39: {  	s31 =	sadd.s32 $0x0, s12;
	[sflag:s15] =	ssyncadd.s32 $0xFFFFFF80  }
0x3a: {  	[tilespmem:s16], [sflag:$0x2] =	stream.linear.gather [hbm4b:s31+s4], $0x80, $0x38;
	[tilespmem:$0x1C100] =	vst v63  }
0x3b: {  	_ =	swait.ge [sflag:s15], $0x80  }
0x3c: {  	[sflag:s15] =	ssyncset.done $0x0  }
0x3d: {  	[sflag:s15] =	ssyncadd.s32 $0xFFFFFF80  }
0x3e: {  	[tilespmem:s17], [sflag:$0x1] =	stream.indirect.gather [hbm4b:s2+s16], $0x80, s4, s16, $0xb8;
	[tilespmem:$0x1C100] =	vst v63  }
0x3f: {  	_ =	swait.ge [sflag:s18], $0x4000  }
0x40: {  	[sflag:s18] =	ssyncset.done $0x0  }
0x41: {  	[sflag:s18] =	ssyncadd.s32 $0xFFFFC000  }
0x42: {  	[spmem:s3] =	stream.indirect.scatter.add.f32 [tilespmem:s17], [sflag:$0x2], $0x80, s16, s16, $0xb8;
	[tilespmem:$0x1C100] =	vst v63  }
0x43: {  	_ =	swait.ge [sflag:s15], $0x4000  }
0x44: {  	s22 =	simm.s32 $0x10;
	s23 =	simm.s32 $0x20;
	[sflag:s15] =	ssyncset.done $0x0  }
.LBB2_4:
0x45: {  	s24 =	sadd.s32 s22, s13  }
0x46: {  	[sflag:s15] =	ssyncadd.s32 $0xFFFFC000;
	s25 =	smov.u32 s23;
	s26 =	sadd.s32 $0x10, s23  }
0x47: {  	[tilespmem:s4], [sflag:$0x2] =	stream.linear.gather [hbm4b:s24+s4], $0x80, $0x38;
	[tilespmem:$0x1C100] =	vst v63  }
0x48: {  	p0 =	sne.s32 s23, $0x4E0;
	_ =	swait.ge [sflag:s15], $0x80  }
0x49: {  	[sflag:s15] =	ssyncset.done $0x0  }
0x4a: {  	s23 =	sadd.s32 s22, s12;
	s22 =	smov.u32 s25;
	[sflag:s15] =	ssyncadd.s32 $0xFFFFFF80  }
0x4b: {  	[tilespmem:s16], [sflag:$0x2] =	stream.linear.gather [hbm4b:s23+s4], $0x80, $0x38;
	[tilespmem:$0x1C100] =	vst v63  }
0x4c: {  	_ =	swait.ge [sflag:s15], $0x80  }
0x4d: {  	[sflag:s15] =	ssyncset.done $0x0  }
0x4e: {  	[sflag:s15] =	ssyncadd.s32 $0xFFFFFF80  }
0x4f: {  	[tilespmem:s17], [sflag:$0x1] =	stream.indirect.gather [hbm4b:s2+s16], $0x80, s4, s16, $0xb8;
	[tilespmem:$0x1C100] =	vst v63  }
0x50: {  	_ =	swait.ge [sflag:s18], $0x4000  }
.Ltmp1:
0x51: {  	[sflag:s18] =	ssyncset.done $0x0;
	(pc) =	sbr.rel @p0 .LBB2_4-.Ltmp1, $4  }
0x52: {  	[sflag:s18] =	ssyncadd.s32 $0xFFFFC000  }
0x53: {  	[spmem:s3] =	stream.indirect.scatter.add.f32 [tilespmem:s17], [sflag:$0x2], $0x80, s16, s16, $0xb8;
	[tilespmem:$0x1C100] =	vst v63  }
0x54: {  	_ =	swait.ge [sflag:s15], $0x4000  }
0x55: {  	s23 =	smov.u32 s26;
	[sflag:s15] =	ssyncset.done $0x0  }
0x56: {  	s23 =	sadd.s32 s22, s13;
	[sflag:s15] =	ssyncadd.s32 $0xFFFFC000  }
0x57: {  	[tilespmem:s4], [sflag:$0x2] =	stream.linear.gather [hbm4b:s23+s4], $0x80, $0x38;
	[tilespmem:$0x1C100] =	vst v63  }
0x58: {  	_ =	swait.ge [sflag:s15], $0x80  }
0x59: {  	[sflag:s15] =	ssyncset.done $0x0  }
0x5a: {  	s31 =	sadd.s32 s22, s12;
	[sflag:s15] =	ssyncadd.s32 $0xFFFFFF80  }
0x5b: {  	[tilespmem:s16], [sflag:$0x2] =	stream.linear.gather [hbm4b:s31+s4], $0x80, $0x38;
	[tilespmem:$0x1C100] =	vst v63  }
0x5c: {  	_ =	swait.ge [sflag:s15], $0x80  }
0x5d: {  	[sflag:s15] =	ssyncset.done $0x0  }
0x5e: {  	[sflag:s15] =	ssyncadd.s32 $0xFFFFFF80  }
0x5f: {  	[tilespmem:s17], [sflag:$0x1] =	stream.indirect.gather [hbm4b:s2+s16], $0x80, s4, s16, $0xb8;
	[tilespmem:$0x1C100] =	vst v63  }
0x60: {  	_ =	swait.ge [sflag:s18], $0x4000  }
0x61: {  	[sflag:s18] =	ssyncset.done $0x0  }
0x62: {  	[sflag:s18] =	ssyncadd.s32 $0xFFFFC000  }
0x63: {  	[spmem:s3] =	stream.indirect.scatter.add.f32 [tilespmem:s17], [sflag:$0x2], $0x80, s16, s16, $0xb8;
	[tilespmem:$0x1C100] =	vst v63  }
0x64: {  	_ =	swait.ge [sflag:s15], $0x4000  }
0x65: {  	s21 =	sadd.s32 $0x1, s21;
	[sflag:s15] =	ssyncset.done $0x0  }
0x66: {  	p0 =	sne.s32 s21, s7;
	[sflag:s15] =	ssyncadd.s32 $0xFFFFC000  }
.Ltmp2:
0x67: {  	[bflag:$0x0] =	sbarrier.arrive $0xFFFF;
	(pc) =	sbr.rel @p0 .LBB2_1-.Ltmp2, $4  }
0x68: {  	[hbm:s6], [sflag:s19] =	dma.local [spmem:s20], $0x2800  }
0x69: {  	_ =	swait.ge [sflag:s15], $0x2800  }
0x6a: {  	[sflag:s15] =	ssyncset.done $0x0  }
0x6b: {  	[sflag:s15] =	ssyncadd.s32 $0xFFFFD800  }
0x6c: {  	_ =	sfence.sel $0x180000  }
0x6d: {  	[bflag:$0x0] =	sbarrier.arrive $0xFFFF  }
0x6e: {  	p0 =	sne.s32 s1, $0x0;
	_ =	strace $0x90000047  }
0x6f: {  	s0 =	sadd.s32 @!p0 $0x100000, s0;
	[bflag:$0x2] =	sbarrier.arrive $0xFFFF  }
0x70: {  	[sflag:s0] =	ssyncadd.tile.s32 @!p0 $0x1;
	_ =	shalt  }
.Lfunc_end2:
_tile_overlayer_lowered:
.L_overlay_start_2:
0x71: {  	(tag) =	ssettag $0x2  }
0x72: {  	s0 =	rddreg [dreg:$0x0];
	s2 =	stileid.u32  }
0x73: {  	s1 =	rddreg [dreg:$0x1];
	p0 =	sne.s32 s2, $0x0  }
0x74: {  	s3 =	rddreg [dreg:$0x2];
	[bflag:$0x3] =	sbarrier.arrive $0xFFFF;
	s2 =	simm.s32 @!p0 $0x1C02  }
0x75: {  	[timem:s3], [sflag:s2] =	dma.local @!p0 [hbm:s0], s1  }
0x76: {  	s0 =	simm.s32 @!p0 $0x2  }
0x77: {  	_ =	swait.ge @!p0 [sflag:s0], s1  }
0x78: {  	s1 =	ssub.s32 @!p0 $0x0, s1;
	[sflag:s0] =	ssyncset.done @!p0 $0x0  }
0x79: {  	[sflag:s0] =	ssyncadd.s32 @!p0 s1  }
0x7a: {  	[bflag:$0x3] =	sbarrier.arrive $0xFFFF  }
0x7b: {  	_ =	shalt  }

</sc_bundles>
